<compile_context>
chip_gen: v7x
topology: tpu7x:2x2x1
jax: 0.10.2.dev20260603
libtpu: 0.0.44.dev20260713+nightly
codegen_flags: <defaults>
</compile_context>

<pallas_src>
import functools

import jax
import jax.numpy as jnp
from jax import lax
from jax.experimental import pallas as pl
from jax.experimental.pallas import tpu as pltpu
from jax.experimental.pallas import tpu_sc as plsc

D = 256
K = 64
NW = 32
CH = 64
L = 16


def _prep_kernel(xkT_ref, dpT_ref, sc_ref, sh_ref, aT_ref, bT_ref):
    f32 = jnp.float32
    xkT = xkT_ref[...]
    dpT = dpT_ref[...]
    row = lax.broadcasted_iota(jnp.int32, (K, K), 0)
    col = lax.broadcasted_iota(jnp.int32, (K, K), 1)
    rmask = lax.broadcasted_iota(jnp.int32, (K, D), 0)

    m1 = (col == row + 1).astype(f32) - (col == row).astype(f32)
    dxT = jnp.dot(m1, xkT, preferred_element_type=f32)
    dxT = jnp.where(rmask == K - 1, 0.0, dxT)

    sT = jax.nn.softplus(dpT) + 1e-4
    avg = jnp.sum(sT * dxT, axis=0, keepdims=True) / (
        jnp.sum(dxT, axis=0, keepdims=True) + 1e-8)
    sT = sT / (avg + 1e-8)

    tm = (col < row).astype(f32)
    ykT = jnp.dot(tm, sT * dxT, preferred_element_type=f32)

    scale = jax.nn.softplus(sc_ref[...]) + 1e-3
    shiftv = sh_ref[...]
    aT_ref[...] = sT * scale
    bT_ref[...] = (ykT - sT * xkT) * scale + shiftv


def _sc_spline(x_hbm, xkf_hbm, af_hbm, bf_hbm, out_hbm,
               xkv, av, bv, xin, yout):
    rows_per_w = x_hbm.shape[0] // (NW * D)
    nchunk = rows_per_w // CH
    wid = lax.axis_index("s") * 2 + lax.axis_index("c")
    base = wid * rows_per_w * D

    pltpu.sync_copy(xkf_hbm, xkv)
    pltpu.sync_copy(af_hbm, av)
    pltpu.sync_copy(bf_hbm, bv)

    iota = lax.iota(jnp.int32, L)
    ibs = [iota * K + v * L * K for v in range(D // L)]

    def chunk_body(c, carry):
        e0 = base + c * CH * D
        pltpu.sync_copy(x_hbm.at[pl.ds(e0, CH * D)], xin)

        def row_body(r, rc):
            off = r * D
            nv = D // L
            xvs = [xin[pl.ds(off + v * L, L)] for v in range(nv)]
            labs = list(ibs)
            for s in (32, 16, 8, 4, 2, 1):
                gs = [plsc.load_gather(xkv, [labs[v] + (s - 1)])
                      for v in range(nv)]
                labs = [jnp.where(gs[v] < xvs[v], labs[v] + s, labs[v])
                        for v in range(nv)]
            for v in range(nv):
                ia = jnp.minimum(jnp.maximum(labs[v] - 1, ibs[v]),
                                 ibs[v] + (K - 2))
                a = plsc.load_gather(av, [ia])
                b = plsc.load_gather(bv, [ia])
                yout[pl.ds(off + v * L, L)] = a * xvs[v] + b
            return rc

        lax.fori_loop(0, CH, row_body, 0)
        pltpu.sync_copy(yout, out_hbm.at[pl.ds(e0, CH * D)])
        return carry

    lax.fori_loop(0, nchunk, chunk_body, 0)


def kernel(x, xk, delta_raw, scale_raw, shift):
    f32 = jnp.float32
    n = x.shape[0]
    xkT = xk.T.astype(f32)
    dpT = jnp.pad(delta_raw, ((0, 0), (0, 1))).T.astype(f32)
    sc = scale_raw[None, :].astype(f32)
    sh = shift[None, :].astype(f32)

    aT, bT = pl.pallas_call(
        _prep_kernel,
        out_shape=[jax.ShapeDtypeStruct((K, D), f32)] * 2,
    )(xkT, dpT, sc, sh)

    xkf = xk.astype(f32).reshape(-1)
    af = aT.T.reshape(-1)
    bf = bT.T.reshape(-1)
    xf = x.reshape(-1)

    mesh = plsc.VectorSubcoreMesh(core_axis_name="c", subcore_axis_name="s")
    run = functools.partial(
        pl.kernel,
        mesh=mesh,
        compiler_params=pltpu.CompilerParams(needs_layout_passes=False),
        out_type=jax.ShapeDtypeStruct((n * D,), f32),
        scratch_types=[
            pltpu.VMEM((D * K,), f32),
            pltpu.VMEM((D * K,), f32),
            pltpu.VMEM((D * K,), f32),
            pltpu.VMEM((CH * D,), f32),
            pltpu.VMEM((CH * D,), f32),
        ],
    )(_sc_spline)
    out = run(xf, xkf, af, bf)
    return out.reshape(n, D)

# --- scband reference (transcript-rebuilt; emitter-appended) ---
"""Pipeline reference for scband-pwlspline-81157702025827 (READ-ONLY COPY).

The authoritative reference and input builder live on the scoring server;
editing this copy changes nothing except your own understanding.
"""

import jax, jax.numpy as jnp
import numpy as np

N = 65536
D = 256
K = 64

def setup_inputs(seed: int = 0):
    key = jax.random.key(seed)
    k1, k2 = jax.random.split(key)
    x = jax.random.normal(k1, (N, D), dtype=jnp.float32)
    # fixed knot positions per dim (sorted, like quantiles of train data)
    xk = jnp.sort(jax.random.normal(k2, (D, K), dtype=jnp.float32) * 1.5, axis=1)
    delta_raw = jnp.zeros((D, K - 1), dtype=jnp.float32)
    scale_raw = jnp.zeros((D,), dtype=jnp.float32)
    shift = jnp.zeros((D,), dtype=jnp.float32)
    return {"x": x, "xk": xk, "delta_raw": delta_raw, "scale_raw": scale_raw, "shift": shift}

def _slopes_and_yk(xk, delta_raw):
    seg_dx = xk[:, 1:] - xk[:, :-1]
    slopes = jax.nn.softplus(delta_raw) + 1e-4
    avg_slope = jnp.sum(slopes * seg_dx, axis=1, keepdims=True) / (jnp.sum(seg_dx, axis=1, keepdims=True) + 1e-8)
    slopes = slopes / (avg_slope + 1e-8)
    yk = jnp.concatenate([jnp.zeros((xk.shape[0], 1), dtype=xk.dtype), jnp.cumsum(slopes * seg_dx, axis=1)], axis=1)
    return slopes, yk

def _forward(x, xk, delta_raw, scale_raw, shift):
    Kn = xk.shape[1]
    slopes, yk = _slopes_and_yk(xk, delta_raw)
    xT = x.T  # [D, N]
    idx = jax.vmap(lambda a, v: jnp.searchsorted(a, v, side='left'))(xk, xT)
    idx = jnp.clip(idx, 1, Kn - 1)
    i0 = idx - 1  # [D, N]
    x0 = jnp.take_along_axis(xk, i0, axis=1)
    y0 = jnp.take_along_axis(yk, i0, axis=1)
    m = jnp.take_along_axis(slopes, i0, axis=1)
    y = (y0 + m * (xT - x0)).T  # [N, D]
    scale = jax.nn.softplus(scale_raw)[None, :] + 1e-3
    return y * scale + shift[None, :]

def reference(x, xk, delta_raw, scale_raw, shift):
    return _forward(x, xk, delta_raw, scale_raw, shift)

if __name__ == "__main__":
    import jax
    _d = setup_inputs()
    print(jax.jit(kernel)(*tuple(_d.values())))

</pallas_src>

<mosaic_0001>
#map = affine_map<(d0, d1) -> (0)>
module attributes {stable_mosaic.version = 14 : i64} {
  func.func @_sc_spline(%arg0: i32, %arg1: i32, %arg2: memref<16777216xf32, #tpu.memory_space<hbm>>, %arg3: memref<16384xf32, #tpu.memory_space<hbm>>, %arg4: memref<16384xf32, #tpu.memory_space<hbm>>, %arg5: memref<16384xf32, #tpu.memory_space<hbm>>, %arg6: memref<16777216xf32, #tpu.memory_space<hbm>>, %arg7: memref<16384xf32, #tpu.memory_space<vmem>>, %arg8: memref<16384xf32, #tpu.memory_space<vmem>>, %arg9: memref<16384xf32, #tpu.memory_space<vmem>>, %arg10: memref<16384xf32, #tpu.memory_space<vmem>>, %arg11: memref<16384xf32, #tpu.memory_space<vmem>>) attributes {dimension_semantics = [#tpu.dimension_semantics<core_parallel>, #tpu.dimension_semantics<subcore_parallel>], iteration_bounds = array<i64: 2, 16>, scalar_prefetch = 0 : i64, scratch_operands = 5 : i64, tpu.core_type = #tpu.core_type<sc_vector_subcore>, window_params = [{transform_indices = #map}, {transform_indices = #map}, {transform_indices = #map}, {transform_indices = #map}, {transform_indices = #map}]} {
    %mul3A = arith.constant 2 : i32
    %mul3A_0 = arith.muli %arg1, %mul3A : i32
    %add3A = arith.addi %mul3A_0, %arg0 : i32
    %mul3A_1 = arith.constant 2048 : i32
    %mul3A_2 = arith.muli %add3A, %mul3A_1 : i32
    %mul3A_3 = arith.constant 256 : i32
    %mul3A_4 = arith.muli %mul3A_2, %mul3A_3 : i32
    "tpu.region"() ({
      %run_scoped3A = tpu.sem_alloc : memref<!tpu.dma_semaphore, #tpu.memory_space<semaphore_mem>>
      tpu.enqueue_dma source(%arg3 : memref<16384xf32, #tpu.memory_space<hbm>>) target(%arg7 : memref<16384xf32, #tpu.memory_space<vmem>>) target_semaphore(%run_scoped3A : memref<!tpu.dma_semaphore, #tpu.memory_space<semaphore_mem>>)
      tpu.wait_dma2 semaphore(%run_scoped3A : memref<!tpu.dma_semaphore, #tpu.memory_space<semaphore_mem>>) src(%arg3 : memref<16384xf32, #tpu.memory_space<hbm>>) dst(%arg7 : memref<16384xf32, #tpu.memory_space<vmem>>)
      tpu.yield
    }) : () -> ()
    "tpu.region"() ({
      %run_scoped3A = tpu.sem_alloc : memref<!tpu.dma_semaphore, #tpu.memory_space<semaphore_mem>>
      tpu.enqueue_dma source(%arg4 : memref<16384xf32, #tpu.memory_space<hbm>>) target(%arg8 : memref<16384xf32, #tpu.memory_space<vmem>>) target_semaphore(%run_scoped3A : memref<!tpu.dma_semaphore, #tpu.memory_space<semaphore_mem>>)
      tpu.wait_dma2 semaphore(%run_scoped3A : memref<!tpu.dma_semaphore, #tpu.memory_space<semaphore_mem>>) src(%arg4 : memref<16384xf32, #tpu.memory_space<hbm>>) dst(%arg8 : memref<16384xf32, #tpu.memory_space<vmem>>)
      tpu.yield
    }) : () -> ()
    "tpu.region"() ({
      %run_scoped3A = tpu.sem_alloc : memref<!tpu.dma_semaphore, #tpu.memory_space<semaphore_mem>>
      tpu.enqueue_dma source(%arg5 : memref<16384xf32, #tpu.memory_space<hbm>>) target(%arg9 : memref<16384xf32, #tpu.memory_space<vmem>>) target_semaphore(%run_scoped3A : memref<!tpu.dma_semaphore, #tpu.memory_space<semaphore_mem>>)
      tpu.wait_dma2 semaphore(%run_scoped3A : memref<!tpu.dma_semaphore, #tpu.memory_space<semaphore_mem>>) src(%arg5 : memref<16384xf32, #tpu.memory_space<hbm>>) dst(%arg9 : memref<16384xf32, #tpu.memory_space<vmem>>)
      tpu.yield
    }) : () -> ()
    %iota3A = tpu.iota {dimensions = array<i32: 0>} : vector<16xi32>
    %mul3A_5 = arith.constant 64 : i32
    %mul3A_6 = vector.broadcast %mul3A_5 : i32 to vector<16xi32>
    %mul3A_7 = arith.muli %iota3A, %mul3A_6 : vector<16xi32>
    %add3A_8 = arith.constant 0 : i32
    %add3A_9 = vector.broadcast %add3A_8 : i32 to vector<16xi32>
    %add3A_10 = arith.addi %mul3A_7, %add3A_9 : vector<16xi32>
    %mul3A_11 = arith.constant 64 : i32
    %mul3A_12 = vector.broadcast %mul3A_11 : i32 to vector<16xi32>
    %mul3A_13 = arith.muli %iota3A, %mul3A_12 : vector<16xi32>
    %add3A_14 = arith.constant 1024 : i32
    %add3A_15 = vector.broadcast %add3A_14 : i32 to vector<16xi32>
    %add3A_16 = arith.addi %mul3A_13, %add3A_15 : vector<16xi32>
    %mul3A_17 = arith.constant 64 : i32
    %mul3A_18 = vector.broadcast %mul3A_17 : i32 to vector<16xi32>
    %mul3A_19 = arith.muli %iota3A, %mul3A_18 : vector<16xi32>
    %add3A_20 = arith.constant 2048 : i32
    %add3A_21 = vector.broadcast %add3A_20 : i32 to vector<16xi32>
    %add3A_22 = arith.addi %mul3A_19, %add3A_21 : vector<16xi32>
    %mul3A_23 = arith.constant 64 : i32
    %mul3A_24 = vector.broadcast %mul3A_23 : i32 to vector<16xi32>
    %mul3A_25 = arith.muli %iota3A, %mul3A_24 : vector<16xi32>
    %add3A_26 = arith.constant 3072 : i32
    %add3A_27 = vector.broadcast %add3A_26 : i32 to vector<16xi32>
    %add3A_28 = arith.addi %mul3A_25, %add3A_27 : vector<16xi32>
    %mul3A_29 = arith.constant 64 : i32
    %mul3A_30 = vector.broadcast %mul3A_29 : i32 to vector<16xi32>
    %mul3A_31 = arith.muli %iota3A, %mul3A_30 : vector<16xi32>
    %add3A_32 = arith.constant 4096 : i32
    %add3A_33 = vector.broadcast %add3A_32 : i32 to vector<16xi32>
    %add3A_34 = arith.addi %mul3A_31, %add3A_33 : vector<16xi32>
    %mul3A_35 = arith.constant 64 : i32
    %mul3A_36 = vector.broadcast %mul3A_35 : i32 to vector<16xi32>
    %mul3A_37 = arith.muli %iota3A, %mul3A_36 : vector<16xi32>
    %add3A_38 = arith.constant 5120 : i32
    %add3A_39 = vector.broadcast %add3A_38 : i32 to vector<16xi32>
    %add3A_40 = arith.addi %mul3A_37, %add3A_39 : vector<16xi32>
    %mul3A_41 = arith.constant 64 : i32
    %mul3A_42 = vector.broadcast %mul3A_41 : i32 to vector<16xi32>
    %mul3A_43 = arith.muli %iota3A, %mul3A_42 : vector<16xi32>
    %add3A_44 = arith.constant 6144 : i32
    %add3A_45 = vector.broadcast %add3A_44 : i32 to vector<16xi32>
    %add3A_46 = arith.addi %mul3A_43, %add3A_45 : vector<16xi32>
    %mul3A_47 = arith.constant 64 : i32
    %mul3A_48 = vector.broadcast %mul3A_47 : i32 to vector<16xi32>
    %mul3A_49 = arith.muli %iota3A, %mul3A_48 : vector<16xi32>
    %add3A_50 = arith.constant 7168 : i32
    %add3A_51 = vector.broadcast %add3A_50 : i32 to vector<16xi32>
    %add3A_52 = arith.addi %mul3A_49, %add3A_51 : vector<16xi32>
    %mul3A_53 = arith.constant 64 : i32
    %mul3A_54 = vector.broadcast %mul3A_53 : i32 to vector<16xi32>
    %mul3A_55 = arith.muli %iota3A, %mul3A_54 : vector<16xi32>
    %add3A_56 = arith.constant 8192 : i32
    %add3A_57 = vector.broadcast %add3A_56 : i32 to vector<16xi32>
    %add3A_58 = arith.addi %mul3A_55, %add3A_57 : vector<16xi32>
    %mul3A_59 = arith.constant 64 : i32
    %mul3A_60 = vector.broadcast %mul3A_59 : i32 to vector<16xi32>
    %mul3A_61 = arith.muli %iota3A, %mul3A_60 : vector<16xi32>
    %add3A_62 = arith.constant 9216 : i32
    %add3A_63 = vector.broadcast %add3A_62 : i32 to vector<16xi32>
    %add3A_64 = arith.addi %mul3A_61, %add3A_63 : vector<16xi32>
    %mul3A_65 = arith.constant 64 : i32
    %mul3A_66 = vector.broadcast %mul3A_65 : i32 to vector<16xi32>
    %mul3A_67 = arith.muli %iota3A, %mul3A_66 : vector<16xi32>
    %add3A_68 = arith.constant 10240 : i32
    %add3A_69 = vector.broadcast %add3A_68 : i32 to vector<16xi32>
    %add3A_70 = arith.addi %mul3A_67, %add3A_69 : vector<16xi32>
    %mul3A_71 = arith.constant 64 : i32
    %mul3A_72 = vector.broadcast %mul3A_71 : i32 to vector<16xi32>
    %mul3A_73 = arith.muli %iota3A, %mul3A_72 : vector<16xi32>
    %add3A_74 = arith.constant 11264 : i32
    %add3A_75 = vector.broadcast %add3A_74 : i32 to vector<16xi32>
    %add3A_76 = arith.addi %mul3A_73, %add3A_75 : vector<16xi32>
    %mul3A_77 = arith.constant 64 : i32
    %mul3A_78 = vector.broadcast %mul3A_77 : i32 to vector<16xi32>
    %mul3A_79 = arith.muli %iota3A, %mul3A_78 : vector<16xi32>
    %add3A_80 = arith.constant 12288 : i32
    %add3A_81 = vector.broadcast %add3A_80 : i32 to vector<16xi32>
    %add3A_82 = arith.addi %mul3A_79, %add3A_81 : vector<16xi32>
    %mul3A_83 = arith.constant 64 : i32
    %mul3A_84 = vector.broadcast %mul3A_83 : i32 to vector<16xi32>
    %mul3A_85 = arith.muli %iota3A, %mul3A_84 : vector<16xi32>
    %add3A_86 = arith.constant 13312 : i32
    %add3A_87 = vector.broadcast %add3A_86 : i32 to vector<16xi32>
    %add3A_88 = arith.addi %mul3A_85, %add3A_87 : vector<16xi32>
    %mul3A_89 = arith.constant 64 : i32
    %mul3A_90 = vector.broadcast %mul3A_89 : i32 to vector<16xi32>
    %mul3A_91 = arith.muli %iota3A, %mul3A_90 : vector<16xi32>
    %add3A_92 = arith.constant 14336 : i32
    %add3A_93 = vector.broadcast %add3A_92 : i32 to vector<16xi32>
    %add3A_94 = arith.addi %mul3A_91, %add3A_93 : vector<16xi32>
    %mul3A_95 = arith.constant 64 : i32
    %mul3A_96 = vector.broadcast %mul3A_95 : i32 to vector<16xi32>
    %mul3A_97 = arith.muli %iota3A, %mul3A_96 : vector<16xi32>
    %add3A_98 = arith.constant 15360 : i32
    %add3A_99 = vector.broadcast %add3A_98 : i32 to vector<16xi32>
    %add3A_100 = arith.addi %mul3A_97, %add3A_99 : vector<16xi32>
    %scan3A = arith.constant 0 : i32
    %scan3A_101 = arith.constant 0 : i32
    %scan3A_102 = arith.constant 32 : i32
    %scan3A_103 = arith.addi %scan3A_101, %scan3A_102 : i32
    %scan3A_104 = arith.constant 1 : i32
    scf.for %scan3A_106 = %scan3A_101 to %scan3A_103 step %scan3A_104  : i32 {
      %mul3A_107 = arith.constant 64 : i32
      %mul3A_108 = arith.muli %scan3A_106, %mul3A_107 : i32
      %mul3A_109 = arith.constant 256 : i32
      %mul3A_110 = arith.muli %mul3A_108, %mul3A_109 : i32
      %add3A_111 = arith.addi %mul3A_4, %mul3A_110 : i32
      "tpu.region"() ({
        %run_scoped3A = tpu.sem_alloc : memref<!tpu.dma_semaphore, #tpu.memory_space<semaphore_mem>>
        %dma_start3A = tpu.memref_slice %arg2[%add3A_111] : memref<16777216xf32, #tpu.memory_space<hbm>> -> memref<16384xf32, #tpu.memory_space<hbm>>
        %dma_start3A_118 = tpu.memref_slice %arg2[%add3A_111] : memref<16777216xf32, #tpu.memory_space<hbm>> -> memref<16384xf32, #tpu.memory_space<hbm>>
        tpu.enqueue_dma source(%dma_start3A_118 : memref<16384xf32, #tpu.memory_space<hbm>>) target(%arg10 : memref<16384xf32, #tpu.memory_space<vmem>>) target_semaphore(%run_scoped3A : memref<!tpu.dma_semaphore, #tpu.memory_space<semaphore_mem>>)
        %dma_wait3A = tpu.memref_slice %arg2[%add3A_111] : memref<16777216xf32, #tpu.memory_space<hbm>> -> memref<16384xf32, #tpu.memory_space<hbm>>
        %dma_wait3A_119 = tpu.memref_slice %arg2[%add3A_111] : memref<16777216xf32, #tpu.memory_space<hbm>> -> memref<16384xf32, #tpu.memory_space<hbm>>
        tpu.wait_dma2 semaphore(%run_scoped3A : memref<!tpu.dma_semaphore, #tpu.memory_space<semaphore_mem>>) src(%dma_wait3A_119 : memref<16384xf32, #tpu.memory_space<hbm>>) dst(%arg10 : memref<16384xf32, #tpu.memory_space<vmem>>)
        tpu.yield
      }) : () -> ()
      %scan3A_112 = arith.constant 0 : i32
      %scan3A_113 = arith.constant 0 : i32
      %scan3A_114 = arith.constant 64 : i32
      %scan3A_115 = arith.addi %scan3A_113, %scan3A_114 : i32
      %scan3A_116 = arith.constant 1 : i32
      scf.for %scan3A_118 = %scan3A_113 to %scan3A_115 step %scan3A_116  : i32 {
        %mul3A_119 = arith.constant 256 : i32
        %mul3A_120 = arith.muli %scan3A_118, %mul3A_119 : i32
        %add3A_121 = arith.constant 0 : i32
        %add3A_122 = arith.addi %mul3A_120, %add3A_121 : i32
        %get3A = arith.index_cast %add3A_122 : i32 to index
        %get3A_123 = tpu.vector_load %arg10[%get3A] {strides = array<i32>} : memref<16384xf32, #tpu.memory_space<vmem>>, vector<16xf32>,
        %add3A_124 = arith.constant 16 : i32
        %add3A_125 = arith.addi %mul3A_120, %add3A_124 : i32
        %get3A_126 = arith.index_cast %add3A_125 : i32 to index
        %get3A_127 = tpu.vector_load %arg10[%get3A_126] {strides = array<i32>} : memref<16384xf32, #tpu.memory_space<vmem>>, vector<16xf32>,
        %add3A_128 = arith.constant 32 : i32
        %add3A_129 = arith.addi %mul3A_120, %add3A_128 : i32
        %get3A_130 = arith.index_cast %add3A_129 : i32 to index
        %get3A_131 = tpu.vector_load %arg10[%get3A_130] {strides = array<i32>} : memref<16384xf32, #tpu.memory_space<vmem>>, vector<16xf32>,
        %add3A_132 = arith.constant 48 : i32
        %add3A_133 = arith.addi %mul3A_120, %add3A_132 : i32
        %get3A_134 = arith.index_cast %add3A_133 : i32 to index
        %get3A_135 = tpu.vector_load %arg10[%get3A_134] {strides = array<i32>} : memref<16384xf32, #tpu.memory_space<vmem>>, vector<16xf32>,
        %add3A_136 = arith.constant 64 : i32
        %add3A_137 = arith.addi %mul3A_120, %add3A_136 : i32
        %get3A_138 = arith.index_cast %add3A_137 : i32 to index
        %get3A_139 = tpu.vector_load %arg10[%get3A_138] {strides = array<i32>} : memref<16384xf32, #tpu.memory_space<vmem>>, vector<16xf32>,
        %add3A_140 = arith.constant 80 : i32
        %add3A_141 = arith.addi %mul3A_120, %add3A_140 : i32
        %get3A_142 = arith.index_cast %add3A_141 : i32 to index
        %get3A_143 = tpu.vector_load %arg10[%get3A_142] {strides = array<i32>} : memref<16384xf32, #tpu.memory_space<vmem>>, vector<16xf32>,
        %add3A_144 = arith.constant 96 : i32
        %add3A_145 = arith.addi %mul3A_120, %add3A_144 : i32
        %get3A_146 = arith.index_cast %add3A_145 : i32 to index
        %get3A_147 = tpu.vector_load %arg10[%get3A_146] {strides = array<i32>} : memref<16384xf32, #tpu.memory_space<vmem>>, vector<16xf32>,
        %add3A_148 = arith.constant 112 : i32
        %add3A_149 = arith.addi %mul3A_120, %add3A_148 : i32
        %get3A_150 = arith.index_cast %add3A_149 : i32 to index
        %get3A_151 = tpu.vector_load %arg10[%get3A_150] {strides = array<i32>} : memref<16384xf32, #tpu.memory_space<vmem>>, vector<16xf32>,
        %add3A_152 = arith.constant 128 : i32
        %add3A_153 = arith.addi %mul3A_120, %add3A_152 : i32
        %get3A_154 = arith.index_cast %add3A_153 : i32 to index
        %get3A_155 = tpu.vector_load %arg10[%get3A_154] {strides = array<i32>} : memref<16384xf32, #tpu.memory_space<vmem>>, vector<16xf32>,
        %add3A_156 = arith.constant 144 : i32
        %add3A_157 = arith.addi %mul3A_120, %add3A_156 : i32
        %get3A_158 = arith.index_cast %add3A_157 : i32 to index
        %get3A_159 = tpu.vector_load %arg10[%get3A_158] {strides = array<i32>} : memref<16384xf32, #tpu.memory_space<vmem>>, vector<16xf32>,
        %add3A_160 = arith.constant 160 : i32
        %add3A_161 = arith.addi %mul3A_120, %add3A_160 : i32
        %get3A_162 = arith.index_cast %add3A_161 : i32 to index
        %get3A_163 = tpu.vector_load %arg10[%get3A_162] {strides = array<i32>} : memref<16384xf32, #tpu.memory_space<vmem>>, vector<16xf32>,
        %add3A_164 = arith.constant 176 : i32
        %add3A_165 = arith.addi %mul3A_120, %add3A_164 : i32
        %get3A_166 = arith.index_cast %add3A_165 : i32 to index
        %get3A_167 = tpu.vector_load %arg10[%get3A_166] {strides = array<i32>} : memref<16384xf32, #tpu.memory_space<vmem>>, vector<16xf32>,
        %add3A_168 = arith.constant 192 : i32
        %add3A_169 = arith.addi %mul3A_120, %add3A_168 : i32
        %get3A_170 = arith.index_cast %add3A_169 : i32 to index
        %get3A_171 = tpu.vector_load %arg10[%get3A_170] {strides = array<i32>} : memref<16384xf32, #tpu.memory_space<vmem>>, vector<16xf32>,
        %add3A_172 = arith.constant 208 : i32
        %add3A_173 = arith.addi %mul3A_120, %add3A_172 : i32
        %get3A_174 = arith.index_cast %add3A_173 : i32 to index
        %get3A_175 = tpu.vector_load %arg10[%get3A_174] {strides = array<i32>} : memref<16384xf32, #tpu.memory_space<vmem>>, vector<16xf32>,
        %add3A_176 = arith.constant 224 : i32
        %add3A_177 = arith.addi %mul3A_120, %add3A_176 : i32
        %get3A_178 = arith.index_cast %add3A_177 : i32 to index
        %get3A_179 = tpu.vector_load %arg10[%get3A_178] {strides = array<i32>} : memref<16384xf32, #tpu.memory_space<vmem>>, vector<16xf32>,
        %add3A_180 = arith.constant 240 : i32
        %add3A_181 = arith.addi %mul3A_120, %add3A_180 : i32
        %get3A_182 = arith.index_cast %add3A_181 : i32 to index
        %get3A_183 = tpu.vector_load %arg10[%get3A_182] {strides = array<i32>} : memref<16384xf32, #tpu.memory_space<vmem>>, vector<16xf32>,
        %add3A_184 = arith.constant 31 : i32
        %add3A_185 = vector.broadcast %add3A_184 : i32 to vector<16xi32>
        %add3A_186 = arith.addi %add3A_10, %add3A_185 : vector<16xi32>
        %gather3A = tpu.vector_load_idx %arg7[%add3A_186] : memref<16384xf32, #tpu.memory_space<vmem>>[vector<16xi32>], vector<16xf32>,
        %add3A_187 = arith.constant 31 : i32
        %add3A_188 = vector.broadcast %add3A_187 : i32 to vector<16xi32>
        %add3A_189 = arith.addi %add3A_16, %add3A_188 : vector<16xi32>
        %gather3A_190 = tpu.vector_load_idx %arg7[%add3A_189] : memref<16384xf32, #tpu.memory_space<vmem>>[vector<16xi32>], vector<16xf32>,
        %add3A_191 = arith.constant 31 : i32
        %add3A_192 = vector.broadcast %add3A_191 : i32 to vector<16xi32>
        %add3A_193 = arith.addi %add3A_22, %add3A_192 : vector<16xi32>
        %gather3A_194 = tpu.vector_load_idx %arg7[%add3A_193] : memref<16384xf32, #tpu.memory_space<vmem>>[vector<16xi32>], vector<16xf32>,
        %add3A_195 = arith.constant 31 : i32
        %add3A_196 = vector.broadcast %add3A_195 : i32 to vector<16xi32>
        %add3A_197 = arith.addi %add3A_28, %add3A_196 : vector<16xi32>
        %gather3A_198 = tpu.vector_load_idx %arg7[%add3A_197] : memref<16384xf32, #tpu.memory_space<vmem>>[vector<16xi32>], vector<16xf32>,
        %add3A_199 = arith.constant 31 : i32
        %add3A_200 = vector.broadcast %add3A_199 : i32 to vector<16xi32>
        %add3A_201 = arith.addi %add3A_34, %add3A_200 : vector<16xi32>
        %gather3A_202 = tpu.vector_load_idx %arg7[%add3A_201] : memref<16384xf32, #tpu.memory_space<vmem>>[vector<16xi32>], vector<16xf32>,
        %add3A_203 = arith.constant 31 : i32
        %add3A_204 = vector.broadcast %add3A_203 : i32 to vector<16xi32>
        %add3A_205 = arith.addi %add3A_40, %add3A_204 : vector<16xi32>
        %gather3A_206 = tpu.vector_load_idx %arg7[%add3A_205] : memref<16384xf32, #tpu.memory_space<vmem>>[vector<16xi32>], vector<16xf32>,
        %add3A_207 = arith.constant 31 : i32
        %add3A_208 = vector.broadcast %add3A_207 : i32 to vector<16xi32>
        %add3A_209 = arith.addi %add3A_46, %add3A_208 : vector<16xi32>
        %gather3A_210 = tpu.vector_load_idx %arg7[%add3A_209] : memref<16384xf32, #tpu.memory_space<vmem>>[vector<16xi32>], vector<16xf32>,
        %add3A_211 = arith.constant 31 : i32
        %add3A_212 = vector.broadcast %add3A_211 : i32 to vector<16xi32>
        %add3A_213 = arith.addi %add3A_52, %add3A_212 : vector<16xi32>
        %gather3A_214 = tpu.vector_load_idx %arg7[%add3A_213] : memref<16384xf32, #tpu.memory_space<vmem>>[vector<16xi32>], vector<16xf32>,
        %add3A_215 = arith.constant 31 : i32
        %add3A_216 = vector.broadcast %add3A_215 : i32 to vector<16xi32>
        %add3A_217 = arith.addi %add3A_58, %add3A_216 : vector<16xi32>
        %gather3A_218 = tpu.vector_load_idx %arg7[%add3A_217] : memref<16384xf32, #tpu.memory_space<vmem>>[vector<16xi32>], vector<16xf32>,
        %add3A_219 = arith.constant 31 : i32
        %add3A_220 = vector.broadcast %add3A_219 : i32 to vector<16xi32>
        %add3A_221 = arith.addi %add3A_64, %add3A_220 : vector<16xi32>
        %gather3A_222 = tpu.vector_load_idx %arg7[%add3A_221] : memref<16384xf32, #tpu.memory_space<vmem>>[vector<16xi32>], vector<16xf32>,
        %add3A_223 = arith.constant 31 : i32
        %add3A_224 = vector.broadcast %add3A_223 : i32 to vector<16xi32>
        %add3A_225 = arith.addi %add3A_70, %add3A_224 : vector<16xi32>
        %gather3A_226 = tpu.vector_load_idx %arg7[%add3A_225] : memref<16384xf32, #tpu.memory_space<vmem>>[vector<16xi32>], vector<16xf32>,
        %add3A_227 = arith.constant 31 : i32
        %add3A_228 = vector.broadcast %add3A_227 : i32 to vector<16xi32>
        %add3A_229 = arith.addi %add3A_76, %add3A_228 : vector<16xi32>
        %gather3A_230 = tpu.vector_load_idx %arg7[%add3A_229] : memref<16384xf32, #tpu.memory_space<vmem>>[vector<16xi32>], vector<16xf32>,
        %add3A_231 = arith.constant 31 : i32
        %add3A_232 = vector.broadcast %add3A_231 : i32 to vector<16xi32>
        %add3A_233 = arith.addi %add3A_82, %add3A_232 : vector<16xi32>
        %gather3A_234 = tpu.vector_load_idx %arg7[%add3A_233] : memref<16384xf32, #tpu.memory_space<vmem>>[vector<16xi32>], vector<16xf32>,
        %add3A_235 = arith.constant 31 : i32
        %add3A_236 = vector.broadcast %add3A_235 : i32 to vector<16xi32>
        %add3A_237 = arith.addi %add3A_88, %add3A_236 : vector<16xi32>
        %gather3A_238 = tpu.vector_load_idx %arg7[%add3A_237] : memref<16384xf32, #tpu.memory_space<vmem>>[vector<16xi32>], vector<16xf32>,
        %add3A_239 = arith.constant 31 : i32
        %add3A_240 = vector.broadcast %add3A_239 : i32 to vector<16xi32>
        %add3A_241 = arith.addi %add3A_94, %add3A_240 : vector<16xi32>
        %gather3A_242 = tpu.vector_load_idx %arg7[%add3A_241] : memref<16384xf32, #tpu.memory_space<vmem>>[vector<16xi32>], vector<16xf32>,
        %add3A_243 = arith.constant 31 : i32
        %add3A_244 = vector.broadcast %add3A_243 : i32 to vector<16xi32>
        %add3A_245 = arith.addi %add3A_100, %add3A_244 : vector<16xi32>
        %gather3A_246 = tpu.vector_load_idx %arg7[%add3A_245] : memref<16384xf32, #tpu.memory_space<vmem>>[vector<16xi32>], vector<16xf32>,
        %lt3A = arith.cmpf olt, %gather3A, %get3A_123 : vector<16xf32>
        %add3A_247 = arith.constant 32 : i32
        %add3A_248 = vector.broadcast %add3A_247 : i32 to vector<16xi32>
        %add3A_249 = arith.addi %add3A_10, %add3A_248 : vector<16xi32>
        %select_n3A = arith.select %lt3A, %add3A_249, %add3A_10 : vector<16xi1>, vector<16xi32>
        %lt3A_250 = arith.cmpf olt, %gather3A_190, %get3A_127 : vector<16xf32>
        %add3A_251 = arith.constant 32 : i32
        %add3A_252 = vector.broadcast %add3A_251 : i32 to vector<16xi32>
        %add3A_253 = arith.addi %add3A_16, %add3A_252 : vector<16xi32>
        %select_n3A_254 = arith.select %lt3A_250, %add3A_253, %add3A_16 : vector<16xi1>, vector<16xi32>
        %lt3A_255 = arith.cmpf olt, %gather3A_194, %get3A_131 : vector<16xf32>
        %add3A_256 = arith.constant 32 : i32
        %add3A_257 = vector.broadcast %add3A_256 : i32 to vector<16xi32>
        %add3A_258 = arith.addi %add3A_22, %add3A_257 : vector<16xi32>
        %select_n3A_259 = arith.select %lt3A_255, %add3A_258, %add3A_22 : vector<16xi1>, vector<16xi32>
        %lt3A_260 = arith.cmpf olt, %gather3A_198, %get3A_135 : vector<16xf32>
        %add3A_261 = arith.constant 32 : i32
        %add3A_262 = vector.broadcast %add3A_261 : i32 to vector<16xi32>
        %add3A_263 = arith.addi %add3A_28, %add3A_262 : vector<16xi32>
        %select_n3A_264 = arith.select %lt3A_260, %add3A_263, %add3A_28 : vector<16xi1>, vector<16xi32>
        %lt3A_265 = arith.cmpf olt, %gather3A_202, %get3A_139 : vector<16xf32>
        %add3A_266 = arith.constant 32 : i32
        %add3A_267 = vector.broadcast %add3A_266 : i32 to vector<16xi32>
        %add3A_268 = arith.addi %add3A_34, %add3A_267 : vector<16xi32>
        %select_n3A_269 = arith.select %lt3A_265, %add3A_268, %add3A_34 : vector<16xi1>, vector<16xi32>
        %lt3A_270 = arith.cmpf olt, %gather3A_206, %get3A_143 : vector<16xf32>
        %add3A_271 = arith.constant 32 : i32
        %add3A_272 = vector.broadcast %add3A_271 : i32 to vector<16xi32>
        %add3A_273 = arith.addi %add3A_40, %add3A_272 : vector<16xi32>
        %select_n3A_274 = arith.select %lt3A_270, %add3A_273, %add3A_40 : vector<16xi1>, vector<16xi32>
        %lt3A_275 = arith.cmpf olt, %gather3A_210, %get3A_147 : vector<16xf32>
        %add3A_276 = arith.constant 32 : i32
        %add3A_277 = vector.broadcast %add3A_276 : i32 to vector<16xi32>
        %add3A_278 = arith.addi %add3A_46, %add3A_277 : vector<16xi32>
        %select_n3A_279 = arith.select %lt3A_275, %add3A_278, %add3A_46 : vector<16xi1>, vector<16xi32>
        %lt3A_280 = arith.cmpf olt, %gather3A_214, %get3A_151 : vector<16xf32>
        %add3A_281 = arith.constant 32 : i32
        %add3A_282 = vector.broadcast %add3A_281 : i32 to vector<16xi32>
        %add3A_283 = arith.addi %add3A_52, %add3A_282 : vector<16xi32>
        %select_n3A_284 = arith.select %lt3A_280, %add3A_283, %add3A_52 : vector<16xi1>, vector<16xi32>
        %lt3A_285 = arith.cmpf olt, %gather3A_218, %get3A_155 : vector<16xf32>
        %add3A_286 = arith.constant 32 : i32
        %add3A_287 = vector.broadcast %add3A_286 : i32 to vector<16xi32>
        %add3A_288 = arith.addi %add3A_58, %add3A_287 : vector<16xi32>
        %select_n3A_289 = arith.select %lt3A_285, %add3A_288, %add3A_58 : vector<16xi1>, vector<16xi32>
        %lt3A_290 = arith.cmpf olt, %gather3A_222, %get3A_159 : vector<16xf32>
        %add3A_291 = arith.constant 32 : i32
        %add3A_292 = vector.broadcast %add3A_291 : i32 to vector<16xi32>
        %add3A_293 = arith.addi %add3A_64, %add3A_292 : vector<16xi32>
        %select_n3A_294 = arith.select %lt3A_290, %add3A_293, %add3A_64 : vector<16xi1>, vector<16xi32>
        %lt3A_295 = arith.cmpf olt, %gather3A_226, %get3A_163 : vector<16xf32>
        %add3A_296 = arith.constant 32 : i32
        %add3A_297 = vector.broadcast %add3A_296 : i32 to vector<16xi32>
        %add3A_298 = arith.addi %add3A_70, %add3A_297 : vector<16xi32>
        %select_n3A_299 = arith.select %lt3A_295, %add3A_298, %add3A_70 : vector<16xi1>, vector<16xi32>
        %lt3A_300 = arith.cmpf olt, %gather3A_230, %get3A_167 : vector<16xf32>
        %add3A_301 = arith.constant 32 : i32
        %add3A_302 = vector.broadcast %add3A_301 : i32 to vector<16xi32>
        %add3A_303 = arith.addi %add3A_76, %add3A_302 : vector<16xi32>
        %select_n3A_304 = arith.select %lt3A_300, %add3A_303, %add3A_76 : vector<16xi1>, vector<16xi32>
        %lt3A_305 = arith.cmpf olt, %gather3A_234, %get3A_171 : vector<16xf32>
        %add3A_306 = arith.constant 32 : i32
        %add3A_307 = vector.broadcast %add3A_306 : i32 to vector<16xi32>
        %add3A_308 = arith.addi %add3A_82, %add3A_307 : vector<16xi32>
        %select_n3A_309 = arith.select %lt3A_305, %add3A_308, %add3A_82 : vector<16xi1>, vector<16xi32>
        %lt3A_310 = arith.cmpf olt, %gather3A_238, %get3A_175 : vector<16xf32>
        %add3A_311 = arith.constant 32 : i32
        %add3A_312 = vector.broadcast %add3A_311 : i32 to vector<16xi32>
        %add3A_313 = arith.addi %add3A_88, %add3A_312 : vector<16xi32>
        %select_n3A_314 = arith.select %lt3A_310, %add3A_313, %add3A_88 : vector<16xi1>, vector<16xi32>
        %lt3A_315 = arith.cmpf olt, %gather3A_242, %get3A_179 : vector<16xf32>
        %add3A_316 = arith.constant 32 : i32
        %add3A_317 = vector.broadcast %add3A_316 : i32 to vector<16xi32>
        %add3A_318 = arith.addi %add3A_94, %add3A_317 : vector<16xi32>
        %select_n3A_319 = arith.select %lt3A_315, %add3A_318, %add3A_94 : vector<16xi1>, vector<16xi32>
        %lt3A_320 = arith.cmpf olt, %gather3A_246, %get3A_183 : vector<16xf32>
        %add3A_321 = arith.constant 32 : i32
        %add3A_322 = vector.broadcast %add3A_321 : i32 to vector<16xi32>
        %add3A_323 = arith.addi %add3A_100, %add3A_322 : vector<16xi32>
        %select_n3A_324 = arith.select %lt3A_320, %add3A_323, %add3A_100 : vector<16xi1>, vector<16xi32>
        %add3A_325 = arith.constant 15 : i32
        %add3A_326 = vector.broadcast %add3A_325 : i32 to vector<16xi32>
        %add3A_327 = arith.addi %select_n3A, %add3A_326 : vector<16xi32>
        %gather3A_328 = tpu.vector_load_idx %arg7[%add3A_327] : memref<16384xf32, #tpu.memory_space<vmem>>[vector<16xi32>], vector<16xf32>,
        %add3A_329 = arith.constant 15 : i32
        %add3A_330 = vector.broadcast %add3A_329 : i32 to vector<16xi32>
        %add3A_331 = arith.addi %select_n3A_254, %add3A_330 : vector<16xi32>
        %gather3A_332 = tpu.vector_load_idx %arg7[%add3A_331] : memref<16384xf32, #tpu.memory_space<vmem>>[vector<16xi32>], vector<16xf32>,
        %add3A_333 = arith.constant 15 : i32
        %add3A_334 = vector.broadcast %add3A_333 : i32 to vector<16xi32>
        %add3A_335 = arith.addi %select_n3A_259, %add3A_334 : vector<16xi32>
        %gather3A_336 = tpu.vector_load_idx %arg7[%add3A_335] : memref<16384xf32, #tpu.memory_space<vmem>>[vector<16xi32>], vector<16xf32>,
        %add3A_337 = arith.constant 15 : i32
        %add3A_338 = vector.broadcast %add3A_337 : i32 to vector<16xi32>
        %add3A_339 = arith.addi %select_n3A_264, %add3A_338 : vector<16xi32>
        %gather3A_340 = tpu.vector_load_idx %arg7[%add3A_339] : memref<16384xf32, #tpu.memory_space<vmem>>[vector<16xi32>], vector<16xf32>,
        %add3A_341 = arith.constant 15 : i32
        %add3A_342 = vector.broadcast %add3A_341 : i32 to vector<16xi32>
        %add3A_343 = arith.addi %select_n3A_269, %add3A_342 : vector<16xi32>
        %gather3A_344 = tpu.vector_load_idx %arg7[%add3A_343] : memref<16384xf32, #tpu.memory_space<vmem>>[vector<16xi32>], vector<16xf32>,
        %add3A_345 = arith.constant 15 : i32
        %add3A_346 = vector.broadcast %add3A_345 : i32 to vector<16xi32>
        %add3A_347 = arith.addi %select_n3A_274, %add3A_346 : vector<16xi32>
        %gather3A_348 = tpu.vector_load_idx %arg7[%add3A_347] : memref<16384xf32, #tpu.memory_space<vmem>>[vector<16xi32>], vector<16xf32>,
        %add3A_349 = arith.constant 15 : i32
        %add3A_350 = vector.broadcast %add3A_349 : i32 to vector<16xi32>
        %add3A_351 = arith.addi %select_n3A_279, %add3A_350 : vector<16xi32>
        %gather3A_352 = tpu.vector_load_idx %arg7[%add3A_351] : memref<16384xf32, #tpu.memory_space<vmem>>[vector<16xi32>], vector<16xf32>,
        %add3A_353 = arith.constant 15 : i32
        %add3A_354 = vector.broadcast %add3A_353 : i32 to vector<16xi32>
        %add3A_355 = arith.addi %select_n3A_284, %add3A_354 : vector<16xi32>
        %gather3A_356 = tpu.vector_load_idx %arg7[%add3A_355] : memref<16384xf32, #tpu.memory_space<vmem>>[vector<16xi32>], vector<16xf32>,
        %add3A_357 = arith.constant 15 : i32
        %add3A_358 = vector.broadcast %add3A_357 : i32 to vector<16xi32>
        %add3A_359 = arith.addi %select_n3A_289, %add3A_358 : vector<16xi32>
        %gather3A_360 = tpu.vector_load_idx %arg7[%add3A_359] : memref<16384xf32, #tpu.memory_space<vmem>>[vector<16xi32>], vector<16xf32>,
        %add3A_361 = arith.constant 15 : i32
        %add3A_362 = vector.broadcast %add3A_361 : i32 to vector<16xi32>
        %add3A_363 = arith.addi %select_n3A_294, %add3A_362 : vector<16xi32>
        %gather3A_364 = tpu.vector_load_idx %arg7[%add3A_363] : memref<16384xf32, #tpu.memory_space<vmem>>[vector<16xi32>], vector<16xf32>,
        %add3A_365 = arith.constant 15 : i32
        %add3A_366 = vector.broadcast %add3A_365 : i32 to vector<16xi32>
        %add3A_367 = arith.addi %select_n3A_299, %add3A_366 : vector<16xi32>
        %gather3A_368 = tpu.vector_load_idx %arg7[%add3A_367] : memref<16384xf32, #tpu.memory_space<vmem>>[vector<16xi32>], vector<16xf32>,
        %add3A_369 = arith.constant 15 : i32
        %add3A_370 = vector.broadcast %add3A_369 : i32 to vector<16xi32>
        %add3A_371 = arith.addi %select_n3A_304, %add3A_370 : vector<16xi32>
        %gather3A_372 = tpu.vector_load_idx %arg7[%add3A_371] : memref<16384xf32, #tpu.memory_space<vmem>>[vector<16xi32>], vector<16xf32>,
        %add3A_373 = arith.constant 15 : i32
        %add3A_374 = vector.broadcast %add3A_373 : i32 to vector<16xi32>
        %add3A_375 = arith.addi %select_n3A_309, %add3A_374 : vector<16xi32>
        %gather3A_376 = tpu.vector_load_idx %arg7[%add3A_375] : memref<16384xf32, #tpu.memory_space<vmem>>[vector<16xi32>], vector<16xf32>,
        %add3A_377 = arith.constant 15 : i32
        %add3A_378 = vector.broadcast %add3A_377 : i32 to vector<16xi32>
        %add3A_379 = arith.addi %select_n3A_314, %add3A_378 : vector<16xi32>
        %gather3A_380 = tpu.vector_load_idx %arg7[%add3A_379] : memref<16384xf32, #tpu.memory_space<vmem>>[vector<16xi32>], vector<16xf32>,
        %add3A_381 = arith.constant 15 : i32
        %add3A_382 = vector.broadcast %add3A_381 : i32 to vector<16xi32>
        %add3A_383 = arith.addi %select_n3A_319, %add3A_382 : vector<16xi32>
        %gather3A_384 = tpu.vector_load_idx %arg7[%add3A_383] : memref<16384xf32, #tpu.memory_space<vmem>>[vector<16xi32>], vector<16xf32>,
        %add3A_385 = arith.constant 15 : i32
        %add3A_386 = vector.broadcast %add3A_385 : i32 to vector<16xi32>
        %add3A_387 = arith.addi %select_n3A_324, %add3A_386 : vector<16xi32>
        %gather3A_388 = tpu.vector_load_idx %arg7[%add3A_387] : memref<16384xf32, #tpu.memory_space<vmem>>[vector<16xi32>], vector<16xf32>,
        %lt3A_389 = arith.cmpf olt, %gather3A_328, %get3A_123 : vector<16xf32>
        %add3A_390 = arith.constant 16 : i32
        %add3A_391 = vector.broadcast %add3A_390 : i32 to vector<16xi32>
        %add3A_392 = arith.addi %select_n3A, %add3A_391 : vector<16xi32>
        %select_n3A_393 = arith.select %lt3A_389, %add3A_392, %select_n3A : vector<16xi1>, vector<16xi32>
        %lt3A_394 = arith.cmpf olt, %gather3A_332, %get3A_127 : vector<16xf32>
        %add3A_395 = arith.constant 16 : i32
        %add3A_396 = vector.broadcast %add3A_395 : i32 to vector<16xi32>
        %add3A_397 = arith.addi %select_n3A_254, %add3A_396 : vector<16xi32>
        %select_n3A_398 = arith.select %lt3A_394, %add3A_397, %select_n3A_254 : vector<16xi1>, vector<16xi32>
        %lt3A_399 = arith.cmpf olt, %gather3A_336, %get3A_131 : vector<16xf32>
        %add3A_400 = arith.constant 16 : i32
        %add3A_401 = vector.broadcast %add3A_400 : i32 to vector<16xi32>
        %add3A_402 = arith.addi %select_n3A_259, %add3A_401 : vector<16xi32>
        %select_n3A_403 = arith.select %lt3A_399, %add3A_402, %select_n3A_259 : vector<16xi1>, vector<16xi32>
        %lt3A_404 = arith.cmpf olt, %gather3A_340, %get3A_135 : vector<16xf32>
        %add3A_405 = arith.constant 16 : i32
        %add3A_406 = vector.broadcast %add3A_405 : i32 to vector<16xi32>
        %add3A_407 = arith.addi %select_n3A_264, %add3A_406 : vector<16xi32>
        %select_n3A_408 = arith.select %lt3A_404, %add3A_407, %select_n3A_264 : vector<16xi1>, vector<16xi32>
        %lt3A_409 = arith.cmpf olt, %gather3A_344, %get3A_139 : vector<16xf32>
        %add3A_410 = arith.constant 16 : i32
        %add3A_411 = vector.broadcast %add3A_410 : i32 to vector<16xi32>
        %add3A_412 = arith.addi %select_n3A_269, %add3A_411 : vector<16xi32>
        %select_n3A_413 = arith.select %lt3A_409, %add3A_412, %select_n3A_269 : vector<16xi1>, vector<16xi32>
        %lt3A_414 = arith.cmpf olt, %gather3A_348, %get3A_143 : vector<16xf32>
        %add3A_415 = arith.constant 16 : i32
        %add3A_416 = vector.broadcast %add3A_415 : i32 to vector<16xi32>
        %add3A_417 = arith.addi %select_n3A_274, %add3A_416 : vector<16xi32>
        %select_n3A_418 = arith.select %lt3A_414, %add3A_417, %select_n3A_274 : vector<16xi1>, vector<16xi32>
        %lt3A_419 = arith.cmpf olt, %gather3A_352, %get3A_147 : vector<16xf32>
        %add3A_420 = arith.constant 16 : i32
        %add3A_421 = vector.broadcast %add3A_420 : i32 to vector<16xi32>
        %add3A_422 = arith.addi %select_n3A_279, %add3A_421 : vector<16xi32>
        %select_n3A_423 = arith.select %lt3A_419, %add3A_422, %select_n3A_279 : vector<16xi1>, vector<16xi32>
        %lt3A_424 = arith.cmpf olt, %gather3A_356, %get3A_151 : vector<16xf32>
        %add3A_425 = arith.constant 16 : i32
        %add3A_426 = vector.broadcast %add3A_425 : i32 to vector<16xi32>
        %add3A_427 = arith.addi %select_n3A_284, %add3A_426 : vector<16xi32>
        %select_n3A_428 = arith.select %lt3A_424, %add3A_427, %select_n3A_284 : vector<16xi1>, vector<16xi32>
        %lt3A_429 = arith.cmpf olt, %gather3A_360, %get3A_155 : vector<16xf32>
        %add3A_430 = arith.constant 16 : i32
        %add3A_431 = vector.broadcast %add3A_430 : i32 to vector<16xi32>
        %add3A_432 = arith.addi %select_n3A_289, %add3A_431 : vector<16xi32>
        %select_n3A_433 = arith.select %lt3A_429, %add3A_432, %select_n3A_289 : vector<16xi1>, vector<16xi32>
        %lt3A_434 = arith.cmpf olt, %gather3A_364, %get3A_159 : vector<16xf32>
        %add3A_435 = arith.constant 16 : i32
        %add3A_436 = vector.broadcast %add3A_435 : i32 to vector<16xi32>
        %add3A_437 = arith.addi %select_n3A_294, %add3A_436 : vector<16xi32>
        %select_n3A_438 = arith.select %lt3A_434, %add3A_437, %select_n3A_294 : vector<16xi1>, vector<16xi32>
        %lt3A_439 = arith.cmpf olt, %gather3A_368, %get3A_163 : vector<16xf32>
        %add3A_440 = arith.constant 16 : i32
        %add3A_441 = vector.broadcast %add3A_440 : i32 to vector<16xi32>
        %add3A_442 = arith.addi %select_n3A_299, %add3A_441 : vector<16xi32>
        %select_n3A_443 = arith.select %lt3A_439, %add3A_442, %select_n3A_299 : vector<16xi1>, vector<16xi32>
        %lt3A_444 = arith.cmpf olt, %gather3A_372, %get3A_167 : vector<16xf32>
        %add3A_445 = arith.constant 16 : i32
        %add3A_446 = vector.broadcast %add3A_445 : i32 to vector<16xi32>
        %add3A_447 = arith.addi %select_n3A_304, %add3A_446 : vector<16xi32>
        %select_n3A_448 = arith.select %lt3A_444, %add3A_447, %select_n3A_304 : vector<16xi1>, vector<16xi32>
        %lt3A_449 = arith.cmpf olt, %gather3A_376, %get3A_171 : vector<16xf32>
        %add3A_450 = arith.constant 16 : i32
        %add3A_451 = vector.broadcast %add3A_450 : i32 to vector<16xi32>
        %add3A_452 = arith.addi %select_n3A_309, %add3A_451 : vector<16xi32>
        %select_n3A_453 = arith.select %lt3A_449, %add3A_452, %select_n3A_309 : vector<16xi1>, vector<16xi32>
        %lt3A_454 = arith.cmpf olt, %gather3A_380, %get3A_175 : vector<16xf32>
        %add3A_455 = arith.constant 16 : i32
        %add3A_456 = vector.broadcast %add3A_455 : i32 to vector<16xi32>
        %add3A_457 = arith.addi %select_n3A_314, %add3A_456 : vector<16xi32>
        %select_n3A_458 = arith.select %lt3A_454, %add3A_457, %select_n3A_314 : vector<16xi1>, vector<16xi32>
        %lt3A_459 = arith.cmpf olt, %gather3A_384, %get3A_179 : vector<16xf32>
        %add3A_460 = arith.constant 16 : i32
        %add3A_461 = vector.broadcast %add3A_460 : i32 to vector<16xi32>
        %add3A_462 = arith.addi %select_n3A_319, %add3A_461 : vector<16xi32>
        %select_n3A_463 = arith.select %lt3A_459, %add3A_462, %select_n3A_319 : vector<16xi1>, vector<16xi32>
        %lt3A_464 = arith.cmpf olt, %gather3A_388, %get3A_183 : vector<16xf32>
        %add3A_465 = arith.constant 16 : i32
        %add3A_466 = vector.broadcast %add3A_465 : i32 to vector<16xi32>
        %add3A_467 = arith.addi %select_n3A_324, %add3A_466 : vector<16xi32>
        %select_n3A_468 = arith.select %lt3A_464, %add3A_467, %select_n3A_324 : vector<16xi1>, vector<16xi32>
        %add3A_469 = arith.constant 7 : i32
        %add3A_470 = vector.broadcast %add3A_469 : i32 to vector<16xi32>
        %add3A_471 = arith.addi %select_n3A_393, %add3A_470 : vector<16xi32>
        %gather3A_472 = tpu.vector_load_idx %arg7[%add3A_471] : memref<16384xf32, #tpu.memory_space<vmem>>[vector<16xi32>], vector<16xf32>,
        %add3A_473 = arith.constant 7 : i32
        %add3A_474 = vector.broadcast %add3A_473 : i32 to vector<16xi32>
        %add3A_475 = arith.addi %select_n3A_398, %add3A_474 : vector<16xi32>
        %gather3A_476 = tpu.vector_load_idx %arg7[%add3A_475] : memref<16384xf32, #tpu.memory_space<vmem>>[vector<16xi32>], vector<16xf32>,
        %add3A_477 = arith.constant 7 : i32
        %add3A_478 = vector.broadcast %add3A_477 : i32 to vector<16xi32>
        %add3A_479 = arith.addi %select_n3A_403, %add3A_478 : vector<16xi32>
        %gather3A_480 = tpu.vector_load_idx %arg7[%add3A_479] : memref<16384xf32, #tpu.memory_space<vmem>>[vector<16xi32>], vector<16xf32>,
        %add3A_481 = arith.constant 7 : i32
        %add3A_482 = vector.broadcast %add3A_481 : i32 to vector<16xi32>
        %add3A_483 = arith.addi %select_n3A_408, %add3A_482 : vector<16xi32>
        %gather3A_484 = tpu.vector_load_idx %arg7[%add3A_483] : memref<16384xf32, #tpu.memory_space<vmem>>[vector<16xi32>], vector<16xf32>,
        %add3A_485 = arith.constant 7 : i32
        %add3A_486 = vector.broadcast %add3A_485 : i32 to vector<16xi32>
        %add3A_487 = arith.addi %select_n3A_413, %add3A_486 : vector<16xi32>
        %gather3A_488 = tpu.vector_load_idx %arg7[%add3A_487] : memref<16384xf32, #tpu.memory_space<vmem>>[vector<16xi32>], vector<16xf32>,
        %add3A_489 = arith.constant 7 : i32
        %add3A_490 = vector.broadcast %add3A_489 : i32 to vector<16xi32>
        %add3A_491 = arith.addi %select_n3A_418, %add3A_490 : vector<16xi32>
        %gather3A_492 = tpu.vector_load_idx %arg7[%add3A_491] : memref<16384xf32, #tpu.memory_space<vmem>>[vector<16xi32>], vector<16xf32>,
        %add3A_493 = arith.constant 7 : i32
        %add3A_494 = vector.broadcast %add3A_493 : i32 to vector<16xi32>
        %add3A_495 = arith.addi %select_n3A_423, %add3A_494 : vector<16xi32>
        %gather3A_496 = tpu.vector_load_idx %arg7[%add3A_495] : memref<16384xf32, #tpu.memory_space<vmem>>[vector<16xi32>], vector<16xf32>,
        %add3A_497 = arith.constant 7 : i32
        %add3A_498 = vector.broadcast %add3A_497 : i32 to vector<16xi32>
        %add3A_499 = arith.addi %select_n3A_428, %add3A_498 : vector<16xi32>
        %gather3A_500 = tpu.vector_load_idx %arg7[%add3A_499] : memref<16384xf32, #tpu.memory_space<vmem>>[vector<16xi32>], vector<16xf32>,
        %add3A_501 = arith.constant 7 : i32
        %add3A_502 = vector.broadcast %add3A_501 : i32 to vector<16xi32>
        %add3A_503 = arith.addi %select_n3A_433, %add3A_502 : vector<16xi32>
        %gather3A_504 = tpu.vector_load_idx %arg7[%add3A_503] : memref<16384xf32, #tpu.memory_space<vmem>>[vector<16xi32>], vector<16xf32>,
        %add3A_505 = arith.constant 7 : i32
        %add3A_506 = vector.broadcast %add3A_505 : i32 to vector<16xi32>
        %add3A_507 = arith.addi %select_n3A_438, %add3A_506 : vector<16xi32>
        %gather3A_508 = tpu.vector_load_idx %arg7[%add3A_507] : memref<16384xf32, #tpu.memory_space<vmem>>[vector<16xi32>], vector<16xf32>,
        %add3A_509 = arith.constant 7 : i32
        %add3A_510 = vector.broadcast %add3A_509 : i32 to vector<16xi32>
        %add3A_511 = arith.addi %select_n3A_443, %add3A_510 : vector<16xi32>
        %gather3A_512 = tpu.vector_load_idx %arg7[%add3A_511] : memref<16384xf32, #tpu.memory_space<vmem>>[vector<16xi32>], vector<16xf32>,
        %add3A_513 = arith.constant 7 : i32
        %add3A_514 = vector.broadcast %add3A_513 : i32 to vector<16xi32>
        %add3A_515 = arith.addi %select_n3A_448, %add3A_514 : vector<16xi32>
        %gather3A_516 = tpu.vector_load_idx %arg7[%add3A_515] : memref<16384xf32, #tpu.memory_space<vmem>>[vector<16xi32>], vector<16xf32>,
        %add3A_517 = arith.constant 7 : i32
        %add3A_518 = vector.broadcast %add3A_517 : i32 to vector<16xi32>
        %add3A_519 = arith.addi %select_n3A_453, %add3A_518 : vector<16xi32>
        %gather3A_520 = tpu.vector_load_idx %arg7[%add3A_519] : memref<16384xf32, #tpu.memory_space<vmem>>[vector<16xi32>], vector<16xf32>,
        %add3A_521 = arith.constant 7 : i32
        %add3A_522 = vector.broadcast %add3A_521 : i32 to vector<16xi32>
        %add3A_523 = arith.addi %select_n3A_458, %add3A_522 : vector<16xi32>
        %gather3A_524 = tpu.vector_load_idx %arg7[%add3A_523] : memref<16384xf32, #tpu.memory_space<vmem>>[vector<16xi32>], vector<16xf32>,
        %add3A_525 = arith.constant 7 : i32
        %add3A_526 = vector.broadcast %add3A_525 : i32 to vector<16xi32>
        %add3A_527 = arith.addi %select_n3A_463, %add3A_526 : vector<16xi32>
        %gather3A_528 = tpu.vector_load_idx %arg7[%add3A_527] : memref<16384xf32, #tpu.memory_space<vmem>>[vector<16xi32>], vector<16xf32>,
        %add3A_529 = arith.constant 7 : i32
        %add3A_530 = vector.broadcast %add3A_529 : i32 to vector<16xi32>
        %add3A_531 = arith.addi %select_n3A_468, %add3A_530 : vector<16xi32>
        %gather3A_532 = tpu.vector_load_idx %arg7[%add3A_531] : memref<16384xf32, #tpu.memory_space<vmem>>[vector<16xi32>], vector<16xf32>,
        %lt3A_533 = arith.cmpf olt, %gather3A_472, %get3A_123 : vector<16xf32>
        %add3A_534 = arith.constant 8 : i32
        %add3A_535 = vector.broadcast %add3A_534 : i32 to vector<16xi32>
        %add3A_536 = arith.addi %select_n3A_393, %add3A_535 : vector<16xi32>
        %select_n3A_537 = arith.select %lt3A_533, %add3A_536, %select_n3A_393 : vector<16xi1>, vector<16xi32>
        %lt3A_538 = arith.cmpf olt, %gather3A_476, %get3A_127 : vector<16xf32>
        %add3A_539 = arith.constant 8 : i32
        %add3A_540 = vector.broadcast %add3A_539 : i32 to vector<16xi32>
        %add3A_541 = arith.addi %select_n3A_398, %add3A_540 : vector<16xi32>
        %select_n3A_542 = arith.select %lt3A_538, %add3A_541, %select_n3A_398 : vector<16xi1>, vector<16xi32>
        %lt3A_543 = arith.cmpf olt, %gather3A_480, %get3A_131 : vector<16xf32>
        %add3A_544 = arith.constant 8 : i32
        %add3A_545 = vector.broadcast %add3A_544 : i32 to vector<16xi32>
        %add3A_546 = arith.addi %select_n3A_403, %add3A_545 : vector<16xi32>
        %select_n3A_547 = arith.select %lt3A_543, %add3A_546, %select_n3A_403 : vector<16xi1>, vector<16xi32>
        %lt3A_548 = arith.cmpf olt, %gather3A_484, %get3A_135 : vector<16xf32>
        %add3A_549 = arith.constant 8 : i32
        %add3A_550 = vector.broadcast %add3A_549 : i32 to vector<16xi32>
        %add3A_551 = arith.addi %select_n3A_408, %add3A_550 : vector<16xi32>
        %select_n3A_552 = arith.select %lt3A_548, %add3A_551, %select_n3A_408 : vector<16xi1>, vector<16xi32>
        %lt3A_553 = arith.cmpf olt, %gather3A_488, %get3A_139 : vector<16xf32>
        %add3A_554 = arith.constant 8 : i32
        %add3A_555 = vector.broadcast %add3A_554 : i32 to vector<16xi32>
        %add3A_556 = arith.addi %select_n3A_413, %add3A_555 : vector<16xi32>
        %select_n3A_557 = arith.select %lt3A_553, %add3A_556, %select_n3A_413 : vector<16xi1>, vector<16xi32>
        %lt3A_558 = arith.cmpf olt, %gather3A_492, %get3A_143 : vector<16xf32>
        %add3A_559 = arith.constant 8 : i32
        %add3A_560 = vector.broadcast %add3A_559 : i32 to vector<16xi32>
        %add3A_561 = arith.addi %select_n3A_418, %add3A_560 : vector<16xi32>
        %select_n3A_562 = arith.select %lt3A_558, %add3A_561, %select_n3A_418 : vector<16xi1>, vector<16xi32>
        %lt3A_563 = arith.cmpf olt, %gather3A_496, %get3A_147 : vector<16xf32>
        %add3A_564 = arith.constant 8 : i32
        %add3A_565 = vector.broadcast %add3A_564 : i32 to vector<16xi32>
        %add3A_566 = arith.addi %select_n3A_423, %add3A_565 : vector<16xi32>
        %select_n3A_567 = arith.select %lt3A_563, %add3A_566, %select_n3A_423 : vector<16xi1>, vector<16xi32>
        %lt3A_568 = arith.cmpf olt, %gather3A_500, %get3A_151 : vector<16xf32>
        %add3A_569 = arith.constant 8 : i32
        %add3A_570 = vector.broadcast %add3A_569 : i32 to vector<16xi32>
        %add3A_571 = arith.addi %select_n3A_428, %add3A_570 : vector<16xi32>
        %select_n3A_572 = arith.select %lt3A_568, %add3A_571, %select_n3A_428 : vector<16xi1>, vector<16xi32>
        %lt3A_573 = arith.cmpf olt, %gather3A_504, %get3A_155 : vector<16xf32>
        %add3A_574 = arith.constant 8 : i32
        %add3A_575 = vector.broadcast %add3A_574 : i32 to vector<16xi32>
        %add3A_576 = arith.addi %select_n3A_433, %add3A_575 : vector<16xi32>
        %select_n3A_577 = arith.select %lt3A_573, %add3A_576, %select_n3A_433 : vector<16xi1>, vector<16xi32>
        %lt3A_578 = arith.cmpf olt, %gather3A_508, %get3A_159 : vector<16xf32>
        %add3A_579 = arith.constant 8 : i32
        %add3A_580 = vector.broadcast %add3A_579 : i32 to vector<16xi32>
        %add3A_581 = arith.addi %select_n3A_438, %add3A_580 : vector<16xi32>
        %select_n3A_582 = arith.select %lt3A_578, %add3A_581, %select_n3A_438 : vector<16xi1>, vector<16xi32>
        %lt3A_583 = arith.cmpf olt, %gather3A_512, %get3A_163 : vector<16xf32>
        %add3A_584 = arith.constant 8 : i32
        %add3A_585 = vector.broadcast %add3A_584 : i32 to vector<16xi32>
        %add3A_586 = arith.addi %select_n3A_443, %add3A_585 : vector<16xi32>
        %select_n3A_587 = arith.select %lt3A_583, %add3A_586, %select_n3A_443 : vector<16xi1>, vector<16xi32>
        %lt3A_588 = arith.cmpf olt, %gather3A_516, %get3A_167 : vector<16xf32>
        %add3A_589 = arith.constant 8 : i32
        %add3A_590 = vector.broadcast %add3A_589 : i32 to vector<16xi32>
        %add3A_591 = arith.addi %select_n3A_448, %add3A_590 : vector<16xi32>
        %select_n3A_592 = arith.select %lt3A_588, %add3A_591, %select_n3A_448 : vector<16xi1>, vector<16xi32>
        %lt3A_593 = arith.cmpf olt, %gather3A_520, %get3A_171 : vector<16xf32>
        %add3A_594 = arith.constant 8 : i32
        %add3A_595 = vector.broadcast %add3A_594 : i32 to vector<16xi32>
        %add3A_596 = arith.addi %select_n3A_453, %add3A_595 : vector<16xi32>
        %select_n3A_597 = arith.select %lt3A_593, %add3A_596, %select_n3A_453 : vector<16xi1>, vector<16xi32>
        %lt3A_598 = arith.cmpf olt, %gather3A_524, %get3A_175 : vector<16xf32>
        %add3A_599 = arith.constant 8 : i32
        %add3A_600 = vector.broadcast %add3A_599 : i32 to vector<16xi32>
        %add3A_601 = arith.addi %select_n3A_458, %add3A_600 : vector<16xi32>
        %select_n3A_602 = arith.select %lt3A_598, %add3A_601, %select_n3A_458 : vector<16xi1>, vector<16xi32>
        %lt3A_603 = arith.cmpf olt, %gather3A_528, %get3A_179 : vector<16xf32>
        %add3A_604 = arith.constant 8 : i32
        %add3A_605 = vector.broadcast %add3A_604 : i32 to vector<16xi32>
        %add3A_606 = arith.addi %select_n3A_463, %add3A_605 : vector<16xi32>
        %select_n3A_607 = arith.select %lt3A_603, %add3A_606, %select_n3A_463 : vector<16xi1>, vector<16xi32>
        %lt3A_608 = arith.cmpf olt, %gather3A_532, %get3A_183 : vector<16xf32>
        %add3A_609 = arith.constant 8 : i32
        %add3A_610 = vector.broadcast %add3A_609 : i32 to vector<16xi32>
        %add3A_611 = arith.addi %select_n3A_468, %add3A_610 : vector<16xi32>
        %select_n3A_612 = arith.select %lt3A_608, %add3A_611, %select_n3A_468 : vector<16xi1>, vector<16xi32>
        %add3A_613 = arith.constant 3 : i32
        %add3A_614 = vector.broadcast %add3A_613 : i32 to vector<16xi32>
        %add3A_615 = arith.addi %select_n3A_537, %add3A_614 : vector<16xi32>
        %gather3A_616 = tpu.vector_load_idx %arg7[%add3A_615] : memref<16384xf32, #tpu.memory_space<vmem>>[vector<16xi32>], vector<16xf32>,
        %add3A_617 = arith.constant 3 : i32
        %add3A_618 = vector.broadcast %add3A_617 : i32 to vector<16xi32>
        %add3A_619 = arith.addi %select_n3A_542, %add3A_618 : vector<16xi32>
        %gather3A_620 = tpu.vector_load_idx %arg7[%add3A_619] : memref<16384xf32, #tpu.memory_space<vmem>>[vector<16xi32>], vector<16xf32>,
        %add3A_621 = arith.constant 3 : i32
        %add3A_622 = vector.broadcast %add3A_621 : i32 to vector<16xi32>
        %add3A_623 = arith.addi %select_n3A_547, %add3A_622 : vector<16xi32>
        %gather3A_624 = tpu.vector_load_idx %arg7[%add3A_623] : memref<16384xf32, #tpu.memory_space<vmem>>[vector<16xi32>], vector<16xf32>,
        %add3A_625 = arith.constant 3 : i32
        %add3A_626 = vector.broadcast %add3A_625 : i32 to vector<16xi32>
        %add3A_627 = arith.addi %select_n3A_552, %add3A_626 : vector<16xi32>
        %gather3A_628 = tpu.vector_load_idx %arg7[%add3A_627] : memref<16384xf32, #tpu.memory_space<vmem>>[vector<16xi32>], vector<16xf32>,
        %add3A_629 = arith.constant 3 : i32
        %add3A_630 = vector.broadcast %add3A_629 : i32 to vector<16xi32>
        %add3A_631 = arith.addi %select_n3A_557, %add3A_630 : vector<16xi32>
        %gather3A_632 = tpu.vector_load_idx %arg7[%add3A_631] : memref<16384xf32, #tpu.memory_space<vmem>>[vector<16xi32>], vector<16xf32>,
        %add3A_633 = arith.constant 3 : i32
        %add3A_634 = vector.broadcast %add3A_633 : i32 to vector<16xi32>
        %add3A_635 = arith.addi %select_n3A_562, %add3A_634 : vector<16xi32>
        %gather3A_636 = tpu.vector_load_idx %arg7[%add3A_635] : memref<16384xf32, #tpu.memory_space<vmem>>[vector<16xi32>], vector<16xf32>,
        %add3A_637 = arith.constant 3 : i32
        %add3A_638 = vector.broadcast %add3A_637 : i32 to vector<16xi32>
        %add3A_639 = arith.addi %select_n3A_567, %add3A_638 : vector<16xi32>
        %gather3A_640 = tpu.vector_load_idx %arg7[%add3A_639] : memref<16384xf32, #tpu.memory_space<vmem>>[vector<16xi32>], vector<16xf32>,
        %add3A_641 = arith.constant 3 : i32
        %add3A_642 = vector.broadcast %add3A_641 : i32 to vector<16xi32>
        %add3A_643 = arith.addi %select_n3A_572, %add3A_642 : vector<16xi32>
        %gather3A_644 = tpu.vector_load_idx %arg7[%add3A_643] : memref<16384xf32, #tpu.memory_space<vmem>>[vector<16xi32>], vector<16xf32>,
        %add3A_645 = arith.constant 3 : i32
        %add3A_646 = vector.broadcast %add3A_645 : i32 to vector<16xi32>
        %add3A_647 = arith.addi %select_n3A_577, %add3A_646 : vector<16xi32>
        %gather3A_648 = tpu.vector_load_idx %arg7[%add3A_647] : memref<16384xf32, #tpu.memory_space<vmem>>[vector<16xi32>], vector<16xf32>,
        %add3A_649 = arith.constant 3 : i32
        %add3A_650 = vector.broadcast %add3A_649 : i32 to vector<16xi32>
        %add3A_651 = arith.addi %select_n3A_582, %add3A_650 : vector<16xi32>
        %gather3A_652 = tpu.vector_load_idx %arg7[%add3A_651] : memref<16384xf32, #tpu.memory_space<vmem>>[vector<16xi32>], vector<16xf32>,
        %add3A_653 = arith.constant 3 : i32
        %add3A_654 = vector.broadcast %add3A_653 : i32 to vector<16xi32>
        %add3A_655 = arith.addi %select_n3A_587, %add3A_654 : vector<16xi32>
        %gather3A_656 = tpu.vector_load_idx %arg7[%add3A_655] : memref<16384xf32, #tpu.memory_space<vmem>>[vector<16xi32>], vector<16xf32>,
        %add3A_657 = arith.constant 3 : i32
        %add3A_658 = vector.broadcast %add3A_657 : i32 to vector<16xi32>
        %add3A_659 = arith.addi %select_n3A_592, %add3A_658 : vector<16xi32>
        %gather3A_660 = tpu.vector_load_idx %arg7[%add3A_659] : memref<16384xf32, #tpu.memory_space<vmem>>[vector<16xi32>], vector<16xf32>,
        %add3A_661 = arith.constant 3 : i32
        %add3A_662 = vector.broadcast %add3A_661 : i32 to vector<16xi32>
        %add3A_663 = arith.addi %select_n3A_597, %add3A_662 : vector<16xi32>
        %gather3A_664 = tpu.vector_load_idx %arg7[%add3A_663] : memref<16384xf32, #tpu.memory_space<vmem>>[vector<16xi32>], vector<16xf32>,
        %add3A_665 = arith.constant 3 : i32
        %add3A_666 = vector.broadcast %add3A_665 : i32 to vector<16xi32>
        %add3A_667 = arith.addi %select_n3A_602, %add3A_666 : vector<16xi32>
        %gather3A_668 = tpu.vector_load_idx %arg7[%add3A_667] : memref<16384xf32, #tpu.memory_space<vmem>>[vector<16xi32>], vector<16xf32>,
        %add3A_669 = arith.constant 3 : i32
        %add3A_670 = vector.broadcast %add3A_669 : i32 to vector<16xi32>
        %add3A_671 = arith.addi %select_n3A_607, %add3A_670 : vector<16xi32>
        %gather3A_672 = tpu.vector_load_idx %arg7[%add3A_671] : memref<16384xf32, #tpu.memory_space<vmem>>[vector<16xi32>], vector<16xf32>,
        %add3A_673 = arith.constant 3 : i32
        %add3A_674 = vector.broadcast %add3A_673 : i32 to vector<16xi32>
        %add3A_675 = arith.addi %select_n3A_612, %add3A_674 : vector<16xi32>
        %gather3A_676 = tpu.vector_load_idx %arg7[%add3A_675] : memref<16384xf32, #tpu.memory_space<vmem>>[vector<16xi32>], vector<16xf32>,
        %lt3A_677 = arith.cmpf olt, %gather3A_616, %get3A_123 : vector<16xf32>
        %add3A_678 = arith.constant 4 : i32
        %add3A_679 = vector.broadcast %add3A_678 : i32 to vector<16xi32>
        %add3A_680 = arith.addi %select_n3A_537, %add3A_679 : vector<16xi32>
        %select_n3A_681 = arith.select %lt3A_677, %add3A_680, %select_n3A_537 : vector<16xi1>, vector<16xi32>
        %lt3A_682 = arith.cmpf olt, %gather3A_620, %get3A_127 : vector<16xf32>
        %add3A_683 = arith.constant 4 : i32
        %add3A_684 = vector.broadcast %add3A_683 : i32 to vector<16xi32>
        %add3A_685 = arith.addi %select_n3A_542, %add3A_684 : vector<16xi32>
        %select_n3A_686 = arith.select %lt3A_682, %add3A_685, %select_n3A_542 : vector<16xi1>, vector<16xi32>
        %lt3A_687 = arith.cmpf olt, %gather3A_624, %get3A_131 : vector<16xf32>
        %add3A_688 = arith.constant 4 : i32
        %add3A_689 = vector.broadcast %add3A_688 : i32 to vector<16xi32>
        %add3A_690 = arith.addi %select_n3A_547, %add3A_689 : vector<16xi32>
        %select_n3A_691 = arith.select %lt3A_687, %add3A_690, %select_n3A_547 : vector<16xi1>, vector<16xi32>
        %lt3A_692 = arith.cmpf olt, %gather3A_628, %get3A_135 : vector<16xf32>
        %add3A_693 = arith.constant 4 : i32
        %add3A_694 = vector.broadcast %add3A_693 : i32 to vector<16xi32>
        %add3A_695 = arith.addi %select_n3A_552, %add3A_694 : vector<16xi32>
        %select_n3A_696 = arith.select %lt3A_692, %add3A_695, %select_n3A_552 : vector<16xi1>, vector<16xi32>
        %lt3A_697 = arith.cmpf olt, %gather3A_632, %get3A_139 : vector<16xf32>
        %add3A_698 = arith.constant 4 : i32
        %add3A_699 = vector.broadcast %add3A_698 : i32 to vector<16xi32>
        %add3A_700 = arith.addi %select_n3A_557, %add3A_699 : vector<16xi32>
        %select_n3A_701 = arith.select %lt3A_697, %add3A_700, %select_n3A_557 : vector<16xi1>, vector<16xi32>
        %lt3A_702 = arith.cmpf olt, %gather3A_636, %get3A_143 : vector<16xf32>
        %add3A_703 = arith.constant 4 : i32
        %add3A_704 = vector.broadcast %add3A_703 : i32 to vector<16xi32>
        %add3A_705 = arith.addi %select_n3A_562, %add3A_704 : vector<16xi32>
        %select_n3A_706 = arith.select %lt3A_702, %add3A_705, %select_n3A_562 : vector<16xi1>, vector<16xi32>
        %lt3A_707 = arith.cmpf olt, %gather3A_640, %get3A_147 : vector<16xf32>
        %add3A_708 = arith.constant 4 : i32
        %add3A_709 = vector.broadcast %add3A_708 : i32 to vector<16xi32>
        %add3A_710 = arith.addi %select_n3A_567, %add3A_709 : vector<16xi32>
        %select_n3A_711 = arith.select %lt3A_707, %add3A_710, %select_n3A_567 : vector<16xi1>, vector<16xi32>
        %lt3A_712 = arith.cmpf olt, %gather3A_644, %get3A_151 : vector<16xf32>
        %add3A_713 = arith.constant 4 : i32
        %add3A_714 = vector.broadcast %add3A_713 : i32 to vector<16xi32>
        %add3A_715 = arith.addi %select_n3A_572, %add3A_714 : vector<16xi32>
        %select_n3A_716 = arith.select %lt3A_712, %add3A_715, %select_n3A_572 : vector<16xi1>, vector<16xi32>
        %lt3A_717 = arith.cmpf olt, %gather3A_648, %get3A_155 : vector<16xf32>
        %add3A_718 = arith.constant 4 : i32
        %add3A_719 = vector.broadcast %add3A_718 : i32 to vector<16xi32>
        %add3A_720 = arith.addi %select_n3A_577, %add3A_719 : vector<16xi32>
        %select_n3A_721 = arith.select %lt3A_717, %add3A_720, %select_n3A_577 : vector<16xi1>, vector<16xi32>
        %lt3A_722 = arith.cmpf olt, %gather3A_652, %get3A_159 : vector<16xf32>
        %add3A_723 = arith.constant 4 : i32
        %add3A_724 = vector.broadcast %add3A_723 : i32 to vector<16xi32>
        %add3A_725 = arith.addi %select_n3A_582, %add3A_724 : vector<16xi32>
        %select_n3A_726 = arith.select %lt3A_722, %add3A_725, %select_n3A_582 : vector<16xi1>, vector<16xi32>
        %lt3A_727 = arith.cmpf olt, %gather3A_656, %get3A_163 : vector<16xf32>
        %add3A_728 = arith.constant 4 : i32
        %add3A_729 = vector.broadcast %add3A_728 : i32 to vector<16xi32>
        %add3A_730 = arith.addi %select_n3A_587, %add3A_729 : vector<16xi32>
        %select_n3A_731 = arith.select %lt3A_727, %add3A_730, %select_n3A_587 : vector<16xi1>, vector<16xi32>
        %lt3A_732 = arith.cmpf olt, %gather3A_660, %get3A_167 : vector<16xf32>
        %add3A_733 = arith.constant 4 : i32
        %add3A_734 = vector.broadcast %add3A_733 : i32 to vector<16xi32>
        %add3A_735 = arith.addi %select_n3A_592, %add3A_734 : vector<16xi32>
        %select_n3A_736 = arith.select %lt3A_732, %add3A_735, %select_n3A_592 : vector<16xi1>, vector<16xi32>
        %lt3A_737 = arith.cmpf olt, %gather3A_664, %get3A_171 : vector<16xf32>
        %add3A_738 = arith.constant 4 : i32
        %add3A_739 = vector.broadcast %add3A_738 : i32 to vector<16xi32>
        %add3A_740 = arith.addi %select_n3A_597, %add3A_739 : vector<16xi32>
        %select_n3A_741 = arith.select %lt3A_737, %add3A_740, %select_n3A_597 : vector<16xi1>, vector<16xi32>
        %lt3A_742 = arith.cmpf olt, %gather3A_668, %get3A_175 : vector<16xf32>
        %add3A_743 = arith.constant 4 : i32
        %add3A_744 = vector.broadcast %add3A_743 : i32 to vector<16xi32>
        %add3A_745 = arith.addi %select_n3A_602, %add3A_744 : vector<16xi32>
        %select_n3A_746 = arith.select %lt3A_742, %add3A_745, %select_n3A_602 : vector<16xi1>, vector<16xi32>
        %lt3A_747 = arith.cmpf olt, %gather3A_672, %get3A_179 : vector<16xf32>
        %add3A_748 = arith.constant 4 : i32
        %add3A_749 = vector.broadcast %add3A_748 : i32 to vector<16xi32>
        %add3A_750 = arith.addi %select_n3A_607, %add3A_749 : vector<16xi32>
        %select_n3A_751 = arith.select %lt3A_747, %add3A_750, %select_n3A_607 : vector<16xi1>, vector<16xi32>
        %lt3A_752 = arith.cmpf olt, %gather3A_676, %get3A_183 : vector<16xf32>
        %add3A_753 = arith.constant 4 : i32
        %add3A_754 = vector.broadcast %add3A_753 : i32 to vector<16xi32>
        %add3A_755 = arith.addi %select_n3A_612, %add3A_754 : vector<16xi32>
        %select_n3A_756 = arith.select %lt3A_752, %add3A_755, %select_n3A_612 : vector<16xi1>, vector<16xi32>
        %add3A_757 = arith.constant 1 : i32
        %add3A_758 = vector.broadcast %add3A_757 : i32 to vector<16xi32>
        %add3A_759 = arith.addi %select_n3A_681, %add3A_758 : vector<16xi32>
        %gather3A_760 = tpu.vector_load_idx %arg7[%add3A_759] : memref<16384xf32, #tpu.memory_space<vmem>>[vector<16xi32>], vector<16xf32>,
        %add3A_761 = arith.constant 1 : i32
        %add3A_762 = vector.broadcast %add3A_761 : i32 to vector<16xi32>
        %add3A_763 = arith.addi %select_n3A_686, %add3A_762 : vector<16xi32>
        %gather3A_764 = tpu.vector_load_idx %arg7[%add3A_763] : memref<16384xf32, #tpu.memory_space<vmem>>[vector<16xi32>], vector<16xf32>,
        %add3A_765 = arith.constant 1 : i32
        %add3A_766 = vector.broadcast %add3A_765 : i32 to vector<16xi32>
        %add3A_767 = arith.addi %select_n3A_691, %add3A_766 : vector<16xi32>
        %gather3A_768 = tpu.vector_load_idx %arg7[%add3A_767] : memref<16384xf32, #tpu.memory_space<vmem>>[vector<16xi32>], vector<16xf32>,
        %add3A_769 = arith.constant 1 : i32
        %add3A_770 = vector.broadcast %add3A_769 : i32 to vector<16xi32>
        %add3A_771 = arith.addi %select_n3A_696, %add3A_770 : vector<16xi32>
        %gather3A_772 = tpu.vector_load_idx %arg7[%add3A_771] : memref<16384xf32, #tpu.memory_space<vmem>>[vector<16xi32>], vector<16xf32>,
        %add3A_773 = arith.constant 1 : i32
        %add3A_774 = vector.broadcast %add3A_773 : i32 to vector<16xi32>
        %add3A_775 = arith.addi %select_n3A_701, %add3A_774 : vector<16xi32>
        %gather3A_776 = tpu.vector_load_idx %arg7[%add3A_775] : memref<16384xf32, #tpu.memory_space<vmem>>[vector<16xi32>], vector<16xf32>,
        %add3A_777 = arith.constant 1 : i32
        %add3A_778 = vector.broadcast %add3A_777 : i32 to vector<16xi32>
        %add3A_779 = arith.addi %select_n3A_706, %add3A_778 : vector<16xi32>
        %gather3A_780 = tpu.vector_load_idx %arg7[%add3A_779] : memref<16384xf32, #tpu.memory_space<vmem>>[vector<16xi32>], vector<16xf32>,
        %add3A_781 = arith.constant 1 : i32
        %add3A_782 = vector.broadcast %add3A_781 : i32 to vector<16xi32>
        %add3A_783 = arith.addi %select_n3A_711, %add3A_782 : vector<16xi32>
        %gather3A_784 = tpu.vector_load_idx %arg7[%add3A_783] : memref<16384xf32, #tpu.memory_space<vmem>>[vector<16xi32>], vector<16xf32>,
        %add3A_785 = arith.constant 1 : i32
        %add3A_786 = vector.broadcast %add3A_785 : i32 to vector<16xi32>
        %add3A_787 = arith.addi %select_n3A_716, %add3A_786 : vector<16xi32>
        %gather3A_788 = tpu.vector_load_idx %arg7[%add3A_787] : memref<16384xf32, #tpu.memory_space<vmem>>[vector<16xi32>], vector<16xf32>,
        %add3A_789 = arith.constant 1 : i32
        %add3A_790 = vector.broadcast %add3A_789 : i32 to vector<16xi32>
        %add3A_791 = arith.addi %select_n3A_721, %add3A_790 : vector<16xi32>
        %gather3A_792 = tpu.vector_load_idx %arg7[%add3A_791] : memref<16384xf32, #tpu.memory_space<vmem>>[vector<16xi32>], vector<16xf32>,
        %add3A_793 = arith.constant 1 : i32
        %add3A_794 = vector.broadcast %add3A_793 : i32 to vector<16xi32>
        %add3A_795 = arith.addi %select_n3A_726, %add3A_794 : vector<16xi32>
        %gather3A_796 = tpu.vector_load_idx %arg7[%add3A_795] : memref<16384xf32, #tpu.memory_space<vmem>>[vector<16xi32>], vector<16xf32>,
        %add3A_797 = arith.constant 1 : i32
        %add3A_798 = vector.broadcast %add3A_797 : i32 to vector<16xi32>
        %add3A_799 = arith.addi %select_n3A_731, %add3A_798 : vector<16xi32>
        %gather3A_800 = tpu.vector_load_idx %arg7[%add3A_799] : memref<16384xf32, #tpu.memory_space<vmem>>[vector<16xi32>], vector<16xf32>,
        %add3A_801 = arith.constant 1 : i32
        %add3A_802 = vector.broadcast %add3A_801 : i32 to vector<16xi32>
        %add3A_803 = arith.addi %select_n3A_736, %add3A_802 : vector<16xi32>
        %gather3A_804 = tpu.vector_load_idx %arg7[%add3A_803] : memref<16384xf32, #tpu.memory_space<vmem>>[vector<16xi32>], vector<16xf32>,
        %add3A_805 = arith.constant 1 : i32
        %add3A_806 = vector.broadcast %add3A_805 : i32 to vector<16xi32>
        %add3A_807 = arith.addi %select_n3A_741, %add3A_806 : vector<16xi32>
        %gather3A_808 = tpu.vector_load_idx %arg7[%add3A_807] : memref<16384xf32, #tpu.memory_space<vmem>>[vector<16xi32>], vector<16xf32>,
        %add3A_809 = arith.constant 1 : i32
        %add3A_810 = vector.broadcast %add3A_809 : i32 to vector<16xi32>
        %add3A_811 = arith.addi %select_n3A_746, %add3A_810 : vector<16xi32>
        %gather3A_812 = tpu.vector_load_idx %arg7[%add3A_811] : memref<16384xf32, #tpu.memory_space<vmem>>[vector<16xi32>], vector<16xf32>,
        %add3A_813 = arith.constant 1 : i32
        %add3A_814 = vector.broadcast %add3A_813 : i32 to vector<16xi32>
        %add3A_815 = arith.addi %select_n3A_751, %add3A_814 : vector<16xi32>
        %gather3A_816 = tpu.vector_load_idx %arg7[%add3A_815] : memref<16384xf32, #tpu.memory_space<vmem>>[vector<16xi32>], vector<16xf32>,
        %add3A_817 = arith.constant 1 : i32
        %add3A_818 = vector.broadcast %add3A_817 : i32 to vector<16xi32>
        %add3A_819 = arith.addi %select_n3A_756, %add3A_818 : vector<16xi32>
        %gather3A_820 = tpu.vector_load_idx %arg7[%add3A_819] : memref<16384xf32, #tpu.memory_space<vmem>>[vector<16xi32>], vector<16xf32>,
        %lt3A_821 = arith.cmpf olt, %gather3A_760, %get3A_123 : vector<16xf32>
        %add3A_822 = arith.constant 2 : i32
        %add3A_823 = vector.broadcast %add3A_822 : i32 to vector<16xi32>
        %add3A_824 = arith.addi %select_n3A_681, %add3A_823 : vector<16xi32>
        %select_n3A_825 = arith.select %lt3A_821, %add3A_824, %select_n3A_681 : vector<16xi1>, vector<16xi32>
        %lt3A_826 = arith.cmpf olt, %gather3A_764, %get3A_127 : vector<16xf32>
        %add3A_827 = arith.constant 2 : i32
        %add3A_828 = vector.broadcast %add3A_827 : i32 to vector<16xi32>
        %add3A_829 = arith.addi %select_n3A_686, %add3A_828 : vector<16xi32>
        %select_n3A_830 = arith.select %lt3A_826, %add3A_829, %select_n3A_686 : vector<16xi1>, vector<16xi32>
        %lt3A_831 = arith.cmpf olt, %gather3A_768, %get3A_131 : vector<16xf32>
        %add3A_832 = arith.constant 2 : i32
        %add3A_833 = vector.broadcast %add3A_832 : i32 to vector<16xi32>
        %add3A_834 = arith.addi %select_n3A_691, %add3A_833 : vector<16xi32>
        %select_n3A_835 = arith.select %lt3A_831, %add3A_834, %select_n3A_691 : vector<16xi1>, vector<16xi32>
        %lt3A_836 = arith.cmpf olt, %gather3A_772, %get3A_135 : vector<16xf32>
        %add3A_837 = arith.constant 2 : i32
        %add3A_838 = vector.broadcast %add3A_837 : i32 to vector<16xi32>
        %add3A_839 = arith.addi %select_n3A_696, %add3A_838 : vector<16xi32>
        %select_n3A_840 = arith.select %lt3A_836, %add3A_839, %select_n3A_696 : vector<16xi1>, vector<16xi32>
        %lt3A_841 = arith.cmpf olt, %gather3A_776, %get3A_139 : vector<16xf32>
        %add3A_842 = arith.constant 2 : i32
        %add3A_843 = vector.broadcast %add3A_842 : i32 to vector<16xi32>
        %add3A_844 = arith.addi %select_n3A_701, %add3A_843 : vector<16xi32>
        %select_n3A_845 = arith.select %lt3A_841, %add3A_844, %select_n3A_701 : vector<16xi1>, vector<16xi32>
        %lt3A_846 = arith.cmpf olt, %gather3A_780, %get3A_143 : vector<16xf32>
        %add3A_847 = arith.constant 2 : i32
        %add3A_848 = vector.broadcast %add3A_847 : i32 to vector<16xi32>
        %add3A_849 = arith.addi %select_n3A_706, %add3A_848 : vector<16xi32>
        %select_n3A_850 = arith.select %lt3A_846, %add3A_849, %select_n3A_706 : vector<16xi1>, vector<16xi32>
        %lt3A_851 = arith.cmpf olt, %gather3A_784, %get3A_147 : vector<16xf32>
        %add3A_852 = arith.constant 2 : i32
        %add3A_853 = vector.broadcast %add3A_852 : i32 to vector<16xi32>
        %add3A_854 = arith.addi %select_n3A_711, %add3A_853 : vector<16xi32>
        %select_n3A_855 = arith.select %lt3A_851, %add3A_854, %select_n3A_711 : vector<16xi1>, vector<16xi32>
        %lt3A_856 = arith.cmpf olt, %gather3A_788, %get3A_151 : vector<16xf32>
        %add3A_857 = arith.constant 2 : i32
        %add3A_858 = vector.broadcast %add3A_857 : i32 to vector<16xi32>
        %add3A_859 = arith.addi %select_n3A_716, %add3A_858 : vector<16xi32>
        %select_n3A_860 = arith.select %lt3A_856, %add3A_859, %select_n3A_716 : vector<16xi1>, vector<16xi32>
        %lt3A_861 = arith.cmpf olt, %gather3A_792, %get3A_155 : vector<16xf32>
        %add3A_862 = arith.constant 2 : i32
        %add3A_863 = vector.broadcast %add3A_862 : i32 to vector<16xi32>
        %add3A_864 = arith.addi %select_n3A_721, %add3A_863 : vector<16xi32>
        %select_n3A_865 = arith.select %lt3A_861, %add3A_864, %select_n3A_721 : vector<16xi1>, vector<16xi32>
        %lt3A_866 = arith.cmpf olt, %gather3A_796, %get3A_159 : vector<16xf32>
        %add3A_867 = arith.constant 2 : i32
        %add3A_868 = vector.broadcast %add3A_867 : i32 to vector<16xi32>
        %add3A_869 = arith.addi %select_n3A_726, %add3A_868 : vector<16xi32>
        %select_n3A_870 = arith.select %lt3A_866, %add3A_869, %select_n3A_726 : vector<16xi1>, vector<16xi32>
        %lt3A_871 = arith.cmpf olt, %gather3A_800, %get3A_163 : vector<16xf32>
        %add3A_872 = arith.constant 2 : i32
        %add3A_873 = vector.broadcast %add3A_872 : i32 to vector<16xi32>
        %add3A_874 = arith.addi %select_n3A_731, %add3A_873 : vector<16xi32>
        %select_n3A_875 = arith.select %lt3A_871, %add3A_874, %select_n3A_731 : vector<16xi1>, vector<16xi32>
        %lt3A_876 = arith.cmpf olt, %gather3A_804, %get3A_167 : vector<16xf32>
        %add3A_877 = arith.constant 2 : i32
        %add3A_878 = vector.broadcast %add3A_877 : i32 to vector<16xi32>
        %add3A_879 = arith.addi %select_n3A_736, %add3A_878 : vector<16xi32>
        %select_n3A_880 = arith.select %lt3A_876, %add3A_879, %select_n3A_736 : vector<16xi1>, vector<16xi32>
        %lt3A_881 = arith.cmpf olt, %gather3A_808, %get3A_171 : vector<16xf32>
        %add3A_882 = arith.constant 2 : i32
        %add3A_883 = vector.broadcast %add3A_882 : i32 to vector<16xi32>
        %add3A_884 = arith.addi %select_n3A_741, %add3A_883 : vector<16xi32>
        %select_n3A_885 = arith.select %lt3A_881, %add3A_884, %select_n3A_741 : vector<16xi1>, vector<16xi32>
        %lt3A_886 = arith.cmpf olt, %gather3A_812, %get3A_175 : vector<16xf32>
        %add3A_887 = arith.constant 2 : i32
        %add3A_888 = vector.broadcast %add3A_887 : i32 to vector<16xi32>
        %add3A_889 = arith.addi %select_n3A_746, %add3A_888 : vector<16xi32>
        %select_n3A_890 = arith.select %lt3A_886, %add3A_889, %select_n3A_746 : vector<16xi1>, vector<16xi32>
        %lt3A_891 = arith.cmpf olt, %gather3A_816, %get3A_179 : vector<16xf32>
        %add3A_892 = arith.constant 2 : i32
        %add3A_893 = vector.broadcast %add3A_892 : i32 to vector<16xi32>
        %add3A_894 = arith.addi %select_n3A_751, %add3A_893 : vector<16xi32>
        %select_n3A_895 = arith.select %lt3A_891, %add3A_894, %select_n3A_751 : vector<16xi1>, vector<16xi32>
        %lt3A_896 = arith.cmpf olt, %gather3A_820, %get3A_183 : vector<16xf32>
        %add3A_897 = arith.constant 2 : i32
        %add3A_898 = vector.broadcast %add3A_897 : i32 to vector<16xi32>
        %add3A_899 = arith.addi %select_n3A_756, %add3A_898 : vector<16xi32>
        %select_n3A_900 = arith.select %lt3A_896, %add3A_899, %select_n3A_756 : vector<16xi1>, vector<16xi32>
        %add3A_901 = arith.constant 0 : i32
        %add3A_902 = vector.broadcast %add3A_901 : i32 to vector<16xi32>
        %add3A_903 = arith.addi %select_n3A_825, %add3A_902 : vector<16xi32>
        %gather3A_904 = tpu.vector_load_idx %arg7[%add3A_903] : memref<16384xf32, #tpu.memory_space<vmem>>[vector<16xi32>], vector<16xf32>,
        %add3A_905 = arith.constant 0 : i32
        %add3A_906 = vector.broadcast %add3A_905 : i32 to vector<16xi32>
        %add3A_907 = arith.addi %select_n3A_830, %add3A_906 : vector<16xi32>
        %gather3A_908 = tpu.vector_load_idx %arg7[%add3A_907] : memref<16384xf32, #tpu.memory_space<vmem>>[vector<16xi32>], vector<16xf32>,
        %add3A_909 = arith.constant 0 : i32
        %add3A_910 = vector.broadcast %add3A_909 : i32 to vector<16xi32>
        %add3A_911 = arith.addi %select_n3A_835, %add3A_910 : vector<16xi32>
        %gather3A_912 = tpu.vector_load_idx %arg7[%add3A_911] : memref<16384xf32, #tpu.memory_space<vmem>>[vector<16xi32>], vector<16xf32>,
        %add3A_913 = arith.constant 0 : i32
        %add3A_914 = vector.broadcast %add3A_913 : i32 to vector<16xi32>
        %add3A_915 = arith.addi %select_n3A_840, %add3A_914 : vector<16xi32>
        %gather3A_916 = tpu.vector_load_idx %arg7[%add3A_915] : memref<16384xf32, #tpu.memory_space<vmem>>[vector<16xi32>], vector<16xf32>,
        %add3A_917 = arith.constant 0 : i32
        %add3A_918 = vector.broadcast %add3A_917 : i32 to vector<16xi32>
        %add3A_919 = arith.addi %select_n3A_845, %add3A_918 : vector<16xi32>
        %gather3A_920 = tpu.vector_load_idx %arg7[%add3A_919] : memref<16384xf32, #tpu.memory_space<vmem>>[vector<16xi32>], vector<16xf32>,
        %add3A_921 = arith.constant 0 : i32
        %add3A_922 = vector.broadcast %add3A_921 : i32 to vector<16xi32>
        %add3A_923 = arith.addi %select_n3A_850, %add3A_922 : vector<16xi32>
        %gather3A_924 = tpu.vector_load_idx %arg7[%add3A_923] : memref<16384xf32, #tpu.memory_space<vmem>>[vector<16xi32>], vector<16xf32>,
        %add3A_925 = arith.constant 0 : i32
        %add3A_926 = vector.broadcast %add3A_925 : i32 to vector<16xi32>
        %add3A_927 = arith.addi %select_n3A_855, %add3A_926 : vector<16xi32>
        %gather3A_928 = tpu.vector_load_idx %arg7[%add3A_927] : memref<16384xf32, #tpu.memory_space<vmem>>[vector<16xi32>], vector<16xf32>,
        %add3A_929 = arith.constant 0 : i32
        %add3A_930 = vector.broadcast %add3A_929 : i32 to vector<16xi32>
        %add3A_931 = arith.addi %select_n3A_860, %add3A_930 : vector<16xi32>
        %gather3A_932 = tpu.vector_load_idx %arg7[%add3A_931] : memref<16384xf32, #tpu.memory_space<vmem>>[vector<16xi32>], vector<16xf32>,
        %add3A_933 = arith.constant 0 : i32
        %add3A_934 = vector.broadcast %add3A_933 : i32 to vector<16xi32>
        %add3A_935 = arith.addi %select_n3A_865, %add3A_934 : vector<16xi32>
        %gather3A_936 = tpu.vector_load_idx %arg7[%add3A_935] : memref<16384xf32, #tpu.memory_space<vmem>>[vector<16xi32>], vector<16xf32>,
        %add3A_937 = arith.constant 0 : i32
        %add3A_938 = vector.broadcast %add3A_937 : i32 to vector<16xi32>
        %add3A_939 = arith.addi %select_n3A_870, %add3A_938 : vector<16xi32>
        %gather3A_940 = tpu.vector_load_idx %arg7[%add3A_939] : memref<16384xf32, #tpu.memory_space<vmem>>[vector<16xi32>], vector<16xf32>,
        %add3A_941 = arith.constant 0 : i32
        %add3A_942 = vector.broadcast %add3A_941 : i32 to vector<16xi32>
        %add3A_943 = arith.addi %select_n3A_875, %add3A_942 : vector<16xi32>
        %gather3A_944 = tpu.vector_load_idx %arg7[%add3A_943] : memref<16384xf32, #tpu.memory_space<vmem>>[vector<16xi32>], vector<16xf32>,
        %add3A_945 = arith.constant 0 : i32
        %add3A_946 = vector.broadcast %add3A_945 : i32 to vector<16xi32>
        %add3A_947 = arith.addi %select_n3A_880, %add3A_946 : vector<16xi32>
        %gather3A_948 = tpu.vector_load_idx %arg7[%add3A_947] : memref<16384xf32, #tpu.memory_space<vmem>>[vector<16xi32>], vector<16xf32>,
        %add3A_949 = arith.constant 0 : i32
        %add3A_950 = vector.broadcast %add3A_949 : i32 to vector<16xi32>
        %add3A_951 = arith.addi %select_n3A_885, %add3A_950 : vector<16xi32>
        %gather3A_952 = tpu.vector_load_idx %arg7[%add3A_951] : memref<16384xf32, #tpu.memory_space<vmem>>[vector<16xi32>], vector<16xf32>,
        %add3A_953 = arith.constant 0 : i32
        %add3A_954 = vector.broadcast %add3A_953 : i32 to vector<16xi32>
        %add3A_955 = arith.addi %select_n3A_890, %add3A_954 : vector<16xi32>
        %gather3A_956 = tpu.vector_load_idx %arg7[%add3A_955] : memref<16384xf32, #tpu.memory_space<vmem>>[vector<16xi32>], vector<16xf32>,
        %add3A_957 = arith.constant 0 : i32
        %add3A_958 = vector.broadcast %add3A_957 : i32 to vector<16xi32>
        %add3A_959 = arith.addi %select_n3A_895, %add3A_958 : vector<16xi32>
        %gather3A_960 = tpu.vector_load_idx %arg7[%add3A_959] : memref<16384xf32, #tpu.memory_space<vmem>>[vector<16xi32>], vector<16xf32>,
        %add3A_961 = arith.constant 0 : i32
        %add3A_962 = vector.broadcast %add3A_961 : i32 to vector<16xi32>
        %add3A_963 = arith.addi %select_n3A_900, %add3A_962 : vector<16xi32>
        %gather3A_964 = tpu.vector_load_idx %arg7[%add3A_963] : memref<16384xf32, #tpu.memory_space<vmem>>[vector<16xi32>], vector<16xf32>,
        %lt3A_965 = arith.cmpf olt, %gather3A_904, %get3A_123 : vector<16xf32>
        %add3A_966 = arith.constant 1 : i32
        %add3A_967 = vector.broadcast %add3A_966 : i32 to vector<16xi32>
        %add3A_968 = arith.addi %select_n3A_825, %add3A_967 : vector<16xi32>
        %select_n3A_969 = arith.select %lt3A_965, %add3A_968, %select_n3A_825 : vector<16xi1>, vector<16xi32>
        %lt3A_970 = arith.cmpf olt, %gather3A_908, %get3A_127 : vector<16xf32>
        %add3A_971 = arith.constant 1 : i32
        %add3A_972 = vector.broadcast %add3A_971 : i32 to vector<16xi32>
        %add3A_973 = arith.addi %select_n3A_830, %add3A_972 : vector<16xi32>
        %select_n3A_974 = arith.select %lt3A_970, %add3A_973, %select_n3A_830 : vector<16xi1>, vector<16xi32>
        %lt3A_975 = arith.cmpf olt, %gather3A_912, %get3A_131 : vector<16xf32>
        %add3A_976 = arith.constant 1 : i32
        %add3A_977 = vector.broadcast %add3A_976 : i32 to vector<16xi32>
        %add3A_978 = arith.addi %select_n3A_835, %add3A_977 : vector<16xi32>
        %select_n3A_979 = arith.select %lt3A_975, %add3A_978, %select_n3A_835 : vector<16xi1>, vector<16xi32>
        %lt3A_980 = arith.cmpf olt, %gather3A_916, %get3A_135 : vector<16xf32>
        %add3A_981 = arith.constant 1 : i32
        %add3A_982 = vector.broadcast %add3A_981 : i32 to vector<16xi32>
        %add3A_983 = arith.addi %select_n3A_840, %add3A_982 : vector<16xi32>
        %select_n3A_984 = arith.select %lt3A_980, %add3A_983, %select_n3A_840 : vector<16xi1>, vector<16xi32>
        %lt3A_985 = arith.cmpf olt, %gather3A_920, %get3A_139 : vector<16xf32>
        %add3A_986 = arith.constant 1 : i32
        %add3A_987 = vector.broadcast %add3A_986 : i32 to vector<16xi32>
        %add3A_988 = arith.addi %select_n3A_845, %add3A_987 : vector<16xi32>
        %select_n3A_989 = arith.select %lt3A_985, %add3A_988, %select_n3A_845 : vector<16xi1>, vector<16xi32>
        %lt3A_990 = arith.cmpf olt, %gather3A_924, %get3A_143 : vector<16xf32>
        %add3A_991 = arith.constant 1 : i32
        %add3A_992 = vector.broadcast %add3A_991 : i32 to vector<16xi32>
        %add3A_993 = arith.addi %select_n3A_850, %add3A_992 : vector<16xi32>
        %select_n3A_994 = arith.select %lt3A_990, %add3A_993, %select_n3A_850 : vector<16xi1>, vector<16xi32>
        %lt3A_995 = arith.cmpf olt, %gather3A_928, %get3A_147 : vector<16xf32>
        %add3A_996 = arith.constant 1 : i32
        %add3A_997 = vector.broadcast %add3A_996 : i32 to vector<16xi32>
        %add3A_998 = arith.addi %select_n3A_855, %add3A_997 : vector<16xi32>
        %select_n3A_999 = arith.select %lt3A_995, %add3A_998, %select_n3A_855 : vector<16xi1>, vector<16xi32>
        %lt3A_1000 = arith.cmpf olt, %gather3A_932, %get3A_151 : vector<16xf32>
        %add3A_1001 = arith.constant 1 : i32
        %add3A_1002 = vector.broadcast %add3A_1001 : i32 to vector<16xi32>
        %add3A_1003 = arith.addi %select_n3A_860, %add3A_1002 : vector<16xi32>
        %select_n3A_1004 = arith.select %lt3A_1000, %add3A_1003, %select_n3A_860 : vector<16xi1>, vector<16xi32>
        %lt3A_1005 = arith.cmpf olt, %gather3A_936, %get3A_155 : vector<16xf32>
        %add3A_1006 = arith.constant 1 : i32
        %add3A_1007 = vector.broadcast %add3A_1006 : i32 to vector<16xi32>
        %add3A_1008 = arith.addi %select_n3A_865, %add3A_1007 : vector<16xi32>
        %select_n3A_1009 = arith.select %lt3A_1005, %add3A_1008, %select_n3A_865 : vector<16xi1>, vector<16xi32>
        %lt3A_1010 = arith.cmpf olt, %gather3A_940, %get3A_159 : vector<16xf32>
        %add3A_1011 = arith.constant 1 : i32
        %add3A_1012 = vector.broadcast %add3A_1011 : i32 to vector<16xi32>
        %add3A_1013 = arith.addi %select_n3A_870, %add3A_1012 : vector<16xi32>
        %select_n3A_1014 = arith.select %lt3A_1010, %add3A_1013, %select_n3A_870 : vector<16xi1>, vector<16xi32>
        %lt3A_1015 = arith.cmpf olt, %gather3A_944, %get3A_163 : vector<16xf32>
        %add3A_1016 = arith.constant 1 : i32
        %add3A_1017 = vector.broadcast %add3A_1016 : i32 to vector<16xi32>
        %add3A_1018 = arith.addi %select_n3A_875, %add3A_1017 : vector<16xi32>
        %select_n3A_1019 = arith.select %lt3A_1015, %add3A_1018, %select_n3A_875 : vector<16xi1>, vector<16xi32>
        %lt3A_1020 = arith.cmpf olt, %gather3A_948, %get3A_167 : vector<16xf32>
        %add3A_1021 = arith.constant 1 : i32
        %add3A_1022 = vector.broadcast %add3A_1021 : i32 to vector<16xi32>
        %add3A_1023 = arith.addi %select_n3A_880, %add3A_1022 : vector<16xi32>
        %select_n3A_1024 = arith.select %lt3A_1020, %add3A_1023, %select_n3A_880 : vector<16xi1>, vector<16xi32>
        %lt3A_1025 = arith.cmpf olt, %gather3A_952, %get3A_171 : vector<16xf32>
        %add3A_1026 = arith.constant 1 : i32
        %add3A_1027 = vector.broadcast %add3A_1026 : i32 to vector<16xi32>
        %add3A_1028 = arith.addi %select_n3A_885, %add3A_1027 : vector<16xi32>
        %select_n3A_1029 = arith.select %lt3A_1025, %add3A_1028, %select_n3A_885 : vector<16xi1>, vector<16xi32>
        %lt3A_1030 = arith.cmpf olt, %gather3A_956, %get3A_175 : vector<16xf32>
        %add3A_1031 = arith.constant 1 : i32
        %add3A_1032 = vector.broadcast %add3A_1031 : i32 to vector<16xi32>
        %add3A_1033 = arith.addi %select_n3A_890, %add3A_1032 : vector<16xi32>
        %select_n3A_1034 = arith.select %lt3A_1030, %add3A_1033, %select_n3A_890 : vector<16xi1>, vector<16xi32>
        %lt3A_1035 = arith.cmpf olt, %gather3A_960, %get3A_179 : vector<16xf32>
        %add3A_1036 = arith.constant 1 : i32
        %add3A_1037 = vector.broadcast %add3A_1036 : i32 to vector<16xi32>
        %add3A_1038 = arith.addi %select_n3A_895, %add3A_1037 : vector<16xi32>
        %select_n3A_1039 = arith.select %lt3A_1035, %add3A_1038, %select_n3A_895 : vector<16xi1>, vector<16xi32>
        %lt3A_1040 = arith.cmpf olt, %gather3A_964, %get3A_183 : vector<16xf32>
        %add3A_1041 = arith.constant 1 : i32
        %add3A_1042 = vector.broadcast %add3A_1041 : i32 to vector<16xi32>
        %add3A_1043 = arith.addi %select_n3A_900, %add3A_1042 : vector<16xi32>
        %select_n3A_1044 = arith.select %lt3A_1040, %add3A_1043, %select_n3A_900 : vector<16xi1>, vector<16xi32>
        %sub3A = arith.constant 1 : i32
        %sub3A_1045 = vector.broadcast %sub3A : i32 to vector<16xi32>
        %sub3A_1046 = arith.subi %select_n3A_969, %sub3A_1045 : vector<16xi32>
        %max3A = arith.maxsi %sub3A_1046, %add3A_10 : vector<16xi32>
        %add3A_1047 = arith.constant 62 : i32
        %add3A_1048 = vector.broadcast %add3A_1047 : i32 to vector<16xi32>
        %add3A_1049 = arith.addi %add3A_10, %add3A_1048 : vector<16xi32>
        %min3A = arith.minsi %max3A, %add3A_1049 : vector<16xi32>
        %gather3A_1050 = tpu.vector_load_idx %arg8[%min3A] : memref<16384xf32, #tpu.memory_space<vmem>>[vector<16xi32>], vector<16xf32>,
        %gather3A_1051 = tpu.vector_load_idx %arg9[%min3A] : memref<16384xf32, #tpu.memory_space<vmem>>[vector<16xi32>], vector<16xf32>,
        %mul3A_1052 = arith.mulf %gather3A_1050, %get3A_123 : vector<16xf32>
        %add3A_1053 = arith.addf %mul3A_1052, %gather3A_1051 : vector<16xf32>
        %add3A_1054 = arith.constant 0 : i32
        %add3A_1055 = arith.addi %mul3A_120, %add3A_1054 : i32
        %swap3A = arith.index_cast %add3A_1055 : i32 to index
        %swap3A_1056 = tpu.vector_load %arg11[%swap3A] {strides = array<i32>} : memref<16384xf32, #tpu.memory_space<vmem>>, vector<16xf32>,
        tpu.vector_store %arg11[%swap3A], %add3A_1053 {strides = array<i32>} : memref<16384xf32, #tpu.memory_space<vmem>>, vector<16xf32>,
        %sub3A_1057 = arith.constant 1 : i32
        %sub3A_1058 = vector.broadcast %sub3A_1057 : i32 to vector<16xi32>
        %sub3A_1059 = arith.subi %select_n3A_974, %sub3A_1058 : vector<16xi32>
        %max3A_1060 = arith.maxsi %sub3A_1059, %add3A_16 : vector<16xi32>
        %add3A_1061 = arith.constant 62 : i32
        %add3A_1062 = vector.broadcast %add3A_1061 : i32 to vector<16xi32>
        %add3A_1063 = arith.addi %add3A_16, %add3A_1062 : vector<16xi32>
        %min3A_1064 = arith.minsi %max3A_1060, %add3A_1063 : vector<16xi32>
        %gather3A_1065 = tpu.vector_load_idx %arg8[%min3A_1064] : memref<16384xf32, #tpu.memory_space<vmem>>[vector<16xi32>], vector<16xf32>,
        %gather3A_1066 = tpu.vector_load_idx %arg9[%min3A_1064] : memref<16384xf32, #tpu.memory_space<vmem>>[vector<16xi32>], vector<16xf32>,
        %mul3A_1067 = arith.mulf %gather3A_1065, %get3A_127 : vector<16xf32>
        %add3A_1068 = arith.addf %mul3A_1067, %gather3A_1066 : vector<16xf32>
        %add3A_1069 = arith.constant 16 : i32
        %add3A_1070 = arith.addi %mul3A_120, %add3A_1069 : i32
        %swap3A_1071 = arith.index_cast %add3A_1070 : i32 to index
        %swap3A_1072 = tpu.vector_load %arg11[%swap3A_1071] {strides = array<i32>} : memref<16384xf32, #tpu.memory_space<vmem>>, vector<16xf32>,
        tpu.vector_store %arg11[%swap3A_1071], %add3A_1068 {strides = array<i32>} : memref<16384xf32, #tpu.memory_space<vmem>>, vector<16xf32>,
        %sub3A_1073 = arith.constant 1 : i32
        %sub3A_1074 = vector.broadcast %sub3A_1073 : i32 to vector<16xi32>
        %sub3A_1075 = arith.subi %select_n3A_979, %sub3A_1074 : vector<16xi32>
        %max3A_1076 = arith.maxsi %sub3A_1075, %add3A_22 : vector<16xi32>
        %add3A_1077 = arith.constant 62 : i32
        %add3A_1078 = vector.broadcast %add3A_1077 : i32 to vector<16xi32>
        %add3A_1079 = arith.addi %add3A_22, %add3A_1078 : vector<16xi32>
        %min3A_1080 = arith.minsi %max3A_1076, %add3A_1079 : vector<16xi32>
        %gather3A_1081 = tpu.vector_load_idx %arg8[%min3A_1080] : memref<16384xf32, #tpu.memory_space<vmem>>[vector<16xi32>], vector<16xf32>,
        %gather3A_1082 = tpu.vector_load_idx %arg9[%min3A_1080] : memref<16384xf32, #tpu.memory_space<vmem>>[vector<16xi32>], vector<16xf32>,
        %mul3A_1083 = arith.mulf %gather3A_1081, %get3A_131 : vector<16xf32>
        %add3A_1084 = arith.addf %mul3A_1083, %gather3A_1082 : vector<16xf32>
        %add3A_1085 = arith.constant 32 : i32
        %add3A_1086 = arith.addi %mul3A_120, %add3A_1085 : i32
        %swap3A_1087 = arith.index_cast %add3A_1086 : i32 to index
        %swap3A_1088 = tpu.vector_load %arg11[%swap3A_1087] {strides = array<i32>} : memref<16384xf32, #tpu.memory_space<vmem>>, vector<16xf32>,
        tpu.vector_store %arg11[%swap3A_1087], %add3A_1084 {strides = array<i32>} : memref<16384xf32, #tpu.memory_space<vmem>>, vector<16xf32>,
        %sub3A_1089 = arith.constant 1 : i32
        %sub3A_1090 = vector.broadcast %sub3A_1089 : i32 to vector<16xi32>
        %sub3A_1091 = arith.subi %select_n3A_984, %sub3A_1090 : vector<16xi32>
        %max3A_1092 = arith.maxsi %sub3A_1091, %add3A_28 : vector<16xi32>
        %add3A_1093 = arith.constant 62 : i32
        %add3A_1094 = vector.broadcast %add3A_1093 : i32 to vector<16xi32>
        %add3A_1095 = arith.addi %add3A_28, %add3A_1094 : vector<16xi32>
        %min3A_1096 = arith.minsi %max3A_1092, %add3A_1095 : vector<16xi32>
        %gather3A_1097 = tpu.vector_load_idx %arg8[%min3A_1096] : memref<16384xf32, #tpu.memory_space<vmem>>[vector<16xi32>], vector<16xf32>,
        %gather3A_1098 = tpu.vector_load_idx %arg9[%min3A_1096] : memref<16384xf32, #tpu.memory_space<vmem>>[vector<16xi32>], vector<16xf32>,
        %mul3A_1099 = arith.mulf %gather3A_1097, %get3A_135 : vector<16xf32>
        %add3A_1100 = arith.addf %mul3A_1099, %gather3A_1098 : vector<16xf32>
        %add3A_1101 = arith.constant 48 : i32
        %add3A_1102 = arith.addi %mul3A_120, %add3A_1101 : i32
        %swap3A_1103 = arith.index_cast %add3A_1102 : i32 to index
        %swap3A_1104 = tpu.vector_load %arg11[%swap3A_1103] {strides = array<i32>} : memref<16384xf32, #tpu.memory_space<vmem>>, vector<16xf32>,
        tpu.vector_store %arg11[%swap3A_1103], %add3A_1100 {strides = array<i32>} : memref<16384xf32, #tpu.memory_space<vmem>>, vector<16xf32>,
        %sub3A_1105 = arith.constant 1 : i32
        %sub3A_1106 = vector.broadcast %sub3A_1105 : i32 to vector<16xi32>
        %sub3A_1107 = arith.subi %select_n3A_989, %sub3A_1106 : vector<16xi32>
        %max3A_1108 = arith.maxsi %sub3A_1107, %add3A_34 : vector<16xi32>
        %add3A_1109 = arith.constant 62 : i32
        %add3A_1110 = vector.broadcast %add3A_1109 : i32 to vector<16xi32>
        %add3A_1111 = arith.addi %add3A_34, %add3A_1110 : vector<16xi32>
        %min3A_1112 = arith.minsi %max3A_1108, %add3A_1111 : vector<16xi32>
        %gather3A_1113 = tpu.vector_load_idx %arg8[%min3A_1112] : memref<16384xf32, #tpu.memory_space<vmem>>[vector<16xi32>], vector<16xf32>,
        %gather3A_1114 = tpu.vector_load_idx %arg9[%min3A_1112] : memref<16384xf32, #tpu.memory_space<vmem>>[vector<16xi32>], vector<16xf32>,
        %mul3A_1115 = arith.mulf %gather3A_1113, %get3A_139 : vector<16xf32>
        %add3A_1116 = arith.addf %mul3A_1115, %gather3A_1114 : vector<16xf32>
        %add3A_1117 = arith.constant 64 : i32
        %add3A_1118 = arith.addi %mul3A_120, %add3A_1117 : i32
        %swap3A_1119 = arith.index_cast %add3A_1118 : i32 to index
        %swap3A_1120 = tpu.vector_load %arg11[%swap3A_1119] {strides = array<i32>} : memref<16384xf32, #tpu.memory_space<vmem>>, vector<16xf32>,
        tpu.vector_store %arg11[%swap3A_1119], %add3A_1116 {strides = array<i32>} : memref<16384xf32, #tpu.memory_space<vmem>>, vector<16xf32>,
        %sub3A_1121 = arith.constant 1 : i32
        %sub3A_1122 = vector.broadcast %sub3A_1121 : i32 to vector<16xi32>
        %sub3A_1123 = arith.subi %select_n3A_994, %sub3A_1122 : vector<16xi32>
        %max3A_1124 = arith.maxsi %sub3A_1123, %add3A_40 : vector<16xi32>
        %add3A_1125 = arith.constant 62 : i32
        %add3A_1126 = vector.broadcast %add3A_1125 : i32 to vector<16xi32>
        %add3A_1127 = arith.addi %add3A_40, %add3A_1126 : vector<16xi32>
        %min3A_1128 = arith.minsi %max3A_1124, %add3A_1127 : vector<16xi32>
        %gather3A_1129 = tpu.vector_load_idx %arg8[%min3A_1128] : memref<16384xf32, #tpu.memory_space<vmem>>[vector<16xi32>], vector<16xf32>,
        %gather3A_1130 = tpu.vector_load_idx %arg9[%min3A_1128] : memref<16384xf32, #tpu.memory_space<vmem>>[vector<16xi32>], vector<16xf32>,
        %mul3A_1131 = arith.mulf %gather3A_1129, %get3A_143 : vector<16xf32>
        %add3A_1132 = arith.addf %mul3A_1131, %gather3A_1130 : vector<16xf32>
        %add3A_1133 = arith.constant 80 : i32
        %add3A_1134 = arith.addi %mul3A_120, %add3A_1133 : i32
        %swap3A_1135 = arith.index_cast %add3A_1134 : i32 to index
        %swap3A_1136 = tpu.vector_load %arg11[%swap3A_1135] {strides = array<i32>} : memref<16384xf32, #tpu.memory_space<vmem>>, vector<16xf32>,
        tpu.vector_store %arg11[%swap3A_1135], %add3A_1132 {strides = array<i32>} : memref<16384xf32, #tpu.memory_space<vmem>>, vector<16xf32>,
        %sub3A_1137 = arith.constant 1 : i32
        %sub3A_1138 = vector.broadcast %sub3A_1137 : i32 to vector<16xi32>
        %sub3A_1139 = arith.subi %select_n3A_999, %sub3A_1138 : vector<16xi32>
        %max3A_1140 = arith.maxsi %sub3A_1139, %add3A_46 : vector<16xi32>
        %add3A_1141 = arith.constant 62 : i32
        %add3A_1142 = vector.broadcast %add3A_1141 : i32 to vector<16xi32>
        %add3A_1143 = arith.addi %add3A_46, %add3A_1142 : vector<16xi32>
        %min3A_1144 = arith.minsi %max3A_1140, %add3A_1143 : vector<16xi32>
        %gather3A_1145 = tpu.vector_load_idx %arg8[%min3A_1144] : memref<16384xf32, #tpu.memory_space<vmem>>[vector<16xi32>], vector<16xf32>,
        %gather3A_1146 = tpu.vector_load_idx %arg9[%min3A_1144] : memref<16384xf32, #tpu.memory_space<vmem>>[vector<16xi32>], vector<16xf32>,
        %mul3A_1147 = arith.mulf %gather3A_1145, %get3A_147 : vector<16xf32>
        %add3A_1148 = arith.addf %mul3A_1147, %gather3A_1146 : vector<16xf32>
        %add3A_1149 = arith.constant 96 : i32
        %add3A_1150 = arith.addi %mul3A_120, %add3A_1149 : i32
        %swap3A_1151 = arith.index_cast %add3A_1150 : i32 to index
        %swap3A_1152 = tpu.vector_load %arg11[%swap3A_1151] {strides = array<i32>} : memref<16384xf32, #tpu.memory_space<vmem>>, vector<16xf32>,
        tpu.vector_store %arg11[%swap3A_1151], %add3A_1148 {strides = array<i32>} : memref<16384xf32, #tpu.memory_space<vmem>>, vector<16xf32>,
        %sub3A_1153 = arith.constant 1 : i32
        %sub3A_1154 = vector.broadcast %sub3A_1153 : i32 to vector<16xi32>
        %sub3A_1155 = arith.subi %select_n3A_1004, %sub3A_1154 : vector<16xi32>
        %max3A_1156 = arith.maxsi %sub3A_1155, %add3A_52 : vector<16xi32>
        %add3A_1157 = arith.constant 62 : i32
        %add3A_1158 = vector.broadcast %add3A_1157 : i32 to vector<16xi32>
        %add3A_1159 = arith.addi %add3A_52, %add3A_1158 : vector<16xi32>
        %min3A_1160 = arith.minsi %max3A_1156, %add3A_1159 : vector<16xi32>
        %gather3A_1161 = tpu.vector_load_idx %arg8[%min3A_1160] : memref<16384xf32, #tpu.memory_space<vmem>>[vector<16xi32>], vector<16xf32>,
        %gather3A_1162 = tpu.vector_load_idx %arg9[%min3A_1160] : memref<16384xf32, #tpu.memory_space<vmem>>[vector<16xi32>], vector<16xf32>,
        %mul3A_1163 = arith.mulf %gather3A_1161, %get3A_151 : vector<16xf32>
        %add3A_1164 = arith.addf %mul3A_1163, %gather3A_1162 : vector<16xf32>
        %add3A_1165 = arith.constant 112 : i32
        %add3A_1166 = arith.addi %mul3A_120, %add3A_1165 : i32
        %swap3A_1167 = arith.index_cast %add3A_1166 : i32 to index
        %swap3A_1168 = tpu.vector_load %arg11[%swap3A_1167] {strides = array<i32>} : memref<16384xf32, #tpu.memory_space<vmem>>, vector<16xf32>,
        tpu.vector_store %arg11[%swap3A_1167], %add3A_1164 {strides = array<i32>} : memref<16384xf32, #tpu.memory_space<vmem>>, vector<16xf32>,
        %sub3A_1169 = arith.constant 1 : i32
        %sub3A_1170 = vector.broadcast %sub3A_1169 : i32 to vector<16xi32>
        %sub3A_1171 = arith.subi %select_n3A_1009, %sub3A_1170 : vector<16xi32>
        %max3A_1172 = arith.maxsi %sub3A_1171, %add3A_58 : vector<16xi32>
        %add3A_1173 = arith.constant 62 : i32
        %add3A_1174 = vector.broadcast %add3A_1173 : i32 to vector<16xi32>
        %add3A_1175 = arith.addi %add3A_58, %add3A_1174 : vector<16xi32>
        %min3A_1176 = arith.minsi %max3A_1172, %add3A_1175 : vector<16xi32>
        %gather3A_1177 = tpu.vector_load_idx %arg8[%min3A_1176] : memref<16384xf32, #tpu.memory_space<vmem>>[vector<16xi32>], vector<16xf32>,
        %gather3A_1178 = tpu.vector_load_idx %arg9[%min3A_1176] : memref<16384xf32, #tpu.memory_space<vmem>>[vector<16xi32>], vector<16xf32>,
        %mul3A_1179 = arith.mulf %gather3A_1177, %get3A_155 : vector<16xf32>
        %add3A_1180 = arith.addf %mul3A_1179, %gather3A_1178 : vector<16xf32>
        %add3A_1181 = arith.constant 128 : i32
        %add3A_1182 = arith.addi %mul3A_120, %add3A_1181 : i32
        %swap3A_1183 = arith.index_cast %add3A_1182 : i32 to index
        %swap3A_1184 = tpu.vector_load %arg11[%swap3A_1183] {strides = array<i32>} : memref<16384xf32, #tpu.memory_space<vmem>>, vector<16xf32>,
        tpu.vector_store %arg11[%swap3A_1183], %add3A_1180 {strides = array<i32>} : memref<16384xf32, #tpu.memory_space<vmem>>, vector<16xf32>,
        %sub3A_1185 = arith.constant 1 : i32
        %sub3A_1186 = vector.broadcast %sub3A_1185 : i32 to vector<16xi32>
        %sub3A_1187 = arith.subi %select_n3A_1014, %sub3A_1186 : vector<16xi32>
        %max3A_1188 = arith.maxsi %sub3A_1187, %add3A_64 : vector<16xi32>
        %add3A_1189 = arith.constant 62 : i32
        %add3A_1190 = vector.broadcast %add3A_1189 : i32 to vector<16xi32>
        %add3A_1191 = arith.addi %add3A_64, %add3A_1190 : vector<16xi32>
        %min3A_1192 = arith.minsi %max3A_1188, %add3A_1191 : vector<16xi32>
        %gather3A_1193 = tpu.vector_load_idx %arg8[%min3A_1192] : memref<16384xf32, #tpu.memory_space<vmem>>[vector<16xi32>], vector<16xf32>,
        %gather3A_1194 = tpu.vector_load_idx %arg9[%min3A_1192] : memref<16384xf32, #tpu.memory_space<vmem>>[vector<16xi32>], vector<16xf32>,
        %mul3A_1195 = arith.mulf %gather3A_1193, %get3A_159 : vector<16xf32>
        %add3A_1196 = arith.addf %mul3A_1195, %gather3A_1194 : vector<16xf32>
        %add3A_1197 = arith.constant 144 : i32
        %add3A_1198 = arith.addi %mul3A_120, %add3A_1197 : i32
        %swap3A_1199 = arith.index_cast %add3A_1198 : i32 to index
        %swap3A_1200 = tpu.vector_load %arg11[%swap3A_1199] {strides = array<i32>} : memref<16384xf32, #tpu.memory_space<vmem>>, vector<16xf32>,
        tpu.vector_store %arg11[%swap3A_1199], %add3A_1196 {strides = array<i32>} : memref<16384xf32, #tpu.memory_space<vmem>>, vector<16xf32>,
        %sub3A_1201 = arith.constant 1 : i32
        %sub3A_1202 = vector.broadcast %sub3A_1201 : i32 to vector<16xi32>
        %sub3A_1203 = arith.subi %select_n3A_1019, %sub3A_1202 : vector<16xi32>
        %max3A_1204 = arith.maxsi %sub3A_1203, %add3A_70 : vector<16xi32>
        %add3A_1205 = arith.constant 62 : i32
        %add3A_1206 = vector.broadcast %add3A_1205 : i32 to vector<16xi32>
        %add3A_1207 = arith.addi %add3A_70, %add3A_1206 : vector<16xi32>
        %min3A_1208 = arith.minsi %max3A_1204, %add3A_1207 : vector<16xi32>
        %gather3A_1209 = tpu.vector_load_idx %arg8[%min3A_1208] : memref<16384xf32, #tpu.memory_space<vmem>>[vector<16xi32>], vector<16xf32>,
        %gather3A_1210 = tpu.vector_load_idx %arg9[%min3A_1208] : memref<16384xf32, #tpu.memory_space<vmem>>[vector<16xi32>], vector<16xf32>,
        %mul3A_1211 = arith.mulf %gather3A_1209, %get3A_163 : vector<16xf32>
        %add3A_1212 = arith.addf %mul3A_1211, %gather3A_1210 : vector<16xf32>
        %add3A_1213 = arith.constant 160 : i32
        %add3A_1214 = arith.addi %mul3A_120, %add3A_1213 : i32
        %swap3A_1215 = arith.index_cast %add3A_1214 : i32 to index
        %swap3A_1216 = tpu.vector_load %arg11[%swap3A_1215] {strides = array<i32>} : memref<16384xf32, #tpu.memory_space<vmem>>, vector<16xf32>,
        tpu.vector_store %arg11[%swap3A_1215], %add3A_1212 {strides = array<i32>} : memref<16384xf32, #tpu.memory_space<vmem>>, vector<16xf32>,
        %sub3A_1217 = arith.constant 1 : i32
        %sub3A_1218 = vector.broadcast %sub3A_1217 : i32 to vector<16xi32>
        %sub3A_1219 = arith.subi %select_n3A_1024, %sub3A_1218 : vector<16xi32>
        %max3A_1220 = arith.maxsi %sub3A_1219, %add3A_76 : vector<16xi32>
        %add3A_1221 = arith.constant 62 : i32
        %add3A_1222 = vector.broadcast %add3A_1221 : i32 to vector<16xi32>
        %add3A_1223 = arith.addi %add3A_76, %add3A_1222 : vector<16xi32>
        %min3A_1224 = arith.minsi %max3A_1220, %add3A_1223 : vector<16xi32>
        %gather3A_1225 = tpu.vector_load_idx %arg8[%min3A_1224] : memref<16384xf32, #tpu.memory_space<vmem>>[vector<16xi32>], vector<16xf32>,
        %gather3A_1226 = tpu.vector_load_idx %arg9[%min3A_1224] : memref<16384xf32, #tpu.memory_space<vmem>>[vector<16xi32>], vector<16xf32>,
        %mul3A_1227 = arith.mulf %gather3A_1225, %get3A_167 : vector<16xf32>
        %add3A_1228 = arith.addf %mul3A_1227, %gather3A_1226 : vector<16xf32>
        %add3A_1229 = arith.constant 176 : i32
        %add3A_1230 = arith.addi %mul3A_120, %add3A_1229 : i32
        %swap3A_1231 = arith.index_cast %add3A_1230 : i32 to index
        %swap3A_1232 = tpu.vector_load %arg11[%swap3A_1231] {strides = array<i32>} : memref<16384xf32, #tpu.memory_space<vmem>>, vector<16xf32>,
        tpu.vector_store %arg11[%swap3A_1231], %add3A_1228 {strides = array<i32>} : memref<16384xf32, #tpu.memory_space<vmem>>, vector<16xf32>,
        %sub3A_1233 = arith.constant 1 : i32
        %sub3A_1234 = vector.broadcast %sub3A_1233 : i32 to vector<16xi32>
        %sub3A_1235 = arith.subi %select_n3A_1029, %sub3A_1234 : vector<16xi32>
        %max3A_1236 = arith.maxsi %sub3A_1235, %add3A_82 : vector<16xi32>
        %add3A_1237 = arith.constant 62 : i32
        %add3A_1238 = vector.broadcast %add3A_1237 : i32 to vector<16xi32>
        %add3A_1239 = arith.addi %add3A_82, %add3A_1238 : vector<16xi32>
        %min3A_1240 = arith.minsi %max3A_1236, %add3A_1239 : vector<16xi32>
        %gather3A_1241 = tpu.vector_load_idx %arg8[%min3A_1240] : memref<16384xf32, #tpu.memory_space<vmem>>[vector<16xi32>], vector<16xf32>,
        %gather3A_1242 = tpu.vector_load_idx %arg9[%min3A_1240] : memref<16384xf32, #tpu.memory_space<vmem>>[vector<16xi32>], vector<16xf32>,
        %mul3A_1243 = arith.mulf %gather3A_1241, %get3A_171 : vector<16xf32>
        %add3A_1244 = arith.addf %mul3A_1243, %gather3A_1242 : vector<16xf32>
        %add3A_1245 = arith.constant 192 : i32
        %add3A_1246 = arith.addi %mul3A_120, %add3A_1245 : i32
        %swap3A_1247 = arith.index_cast %add3A_1246 : i32 to index
        %swap3A_1248 = tpu.vector_load %arg11[%swap3A_1247] {strides = array<i32>} : memref<16384xf32, #tpu.memory_space<vmem>>, vector<16xf32>,
        tpu.vector_store %arg11[%swap3A_1247], %add3A_1244 {strides = array<i32>} : memref<16384xf32, #tpu.memory_space<vmem>>, vector<16xf32>,
        %sub3A_1249 = arith.constant 1 : i32
        %sub3A_1250 = vector.broadcast %sub3A_1249 : i32 to vector<16xi32>
        %sub3A_1251 = arith.subi %select_n3A_1034, %sub3A_1250 : vector<16xi32>
        %max3A_1252 = arith.maxsi %sub3A_1251, %add3A_88 : vector<16xi32>
        %add3A_1253 = arith.constant 62 : i32
        %add3A_1254 = vector.broadcast %add3A_1253 : i32 to vector<16xi32>
        %add3A_1255 = arith.addi %add3A_88, %add3A_1254 : vector<16xi32>
        %min3A_1256 = arith.minsi %max3A_1252, %add3A_1255 : vector<16xi32>
        %gather3A_1257 = tpu.vector_load_idx %arg8[%min3A_1256] : memref<16384xf32, #tpu.memory_space<vmem>>[vector<16xi32>], vector<16xf32>,
        %gather3A_1258 = tpu.vector_load_idx %arg9[%min3A_1256] : memref<16384xf32, #tpu.memory_space<vmem>>[vector<16xi32>], vector<16xf32>,
        %mul3A_1259 = arith.mulf %gather3A_1257, %get3A_175 : vector<16xf32>
        %add3A_1260 = arith.addf %mul3A_1259, %gather3A_1258 : vector<16xf32>
        %add3A_1261 = arith.constant 208 : i32
        %add3A_1262 = arith.addi %mul3A_120, %add3A_1261 : i32
        %swap3A_1263 = arith.index_cast %add3A_1262 : i32 to index
        %swap3A_1264 = tpu.vector_load %arg11[%swap3A_1263] {strides = array<i32>} : memref<16384xf32, #tpu.memory_space<vmem>>, vector<16xf32>,
        tpu.vector_store %arg11[%swap3A_1263], %add3A_1260 {strides = array<i32>} : memref<16384xf32, #tpu.memory_space<vmem>>, vector<16xf32>,
        %sub3A_1265 = arith.constant 1 : i32
        %sub3A_1266 = vector.broadcast %sub3A_1265 : i32 to vector<16xi32>
        %sub3A_1267 = arith.subi %select_n3A_1039, %sub3A_1266 : vector<16xi32>
        %max3A_1268 = arith.maxsi %sub3A_1267, %add3A_94 : vector<16xi32>
        %add3A_1269 = arith.constant 62 : i32
        %add3A_1270 = vector.broadcast %add3A_1269 : i32 to vector<16xi32>
        %add3A_1271 = arith.addi %add3A_94, %add3A_1270 : vector<16xi32>
        %min3A_1272 = arith.minsi %max3A_1268, %add3A_1271 : vector<16xi32>
        %gather3A_1273 = tpu.vector_load_idx %arg8[%min3A_1272] : memref<16384xf32, #tpu.memory_space<vmem>>[vector<16xi32>], vector<16xf32>,
        %gather3A_1274 = tpu.vector_load_idx %arg9[%min3A_1272] : memref<16384xf32, #tpu.memory_space<vmem>>[vector<16xi32>], vector<16xf32>,
        %mul3A_1275 = arith.mulf %gather3A_1273, %get3A_179 : vector<16xf32>
        %add3A_1276 = arith.addf %mul3A_1275, %gather3A_1274 : vector<16xf32>
        %add3A_1277 = arith.constant 224 : i32
        %add3A_1278 = arith.addi %mul3A_120, %add3A_1277 : i32
        %swap3A_1279 = arith.index_cast %add3A_1278 : i32 to index
        %swap3A_1280 = tpu.vector_load %arg11[%swap3A_1279] {strides = array<i32>} : memref<16384xf32, #tpu.memory_space<vmem>>, vector<16xf32>,
        tpu.vector_store %arg11[%swap3A_1279], %add3A_1276 {strides = array<i32>} : memref<16384xf32, #tpu.memory_space<vmem>>, vector<16xf32>,
        %sub3A_1281 = arith.constant 1 : i32
        %sub3A_1282 = vector.broadcast %sub3A_1281 : i32 to vector<16xi32>
        %sub3A_1283 = arith.subi %select_n3A_1044, %sub3A_1282 : vector<16xi32>
        %max3A_1284 = arith.maxsi %sub3A_1283, %add3A_100 : vector<16xi32>
        %add3A_1285 = arith.constant 62 : i32
        %add3A_1286 = vector.broadcast %add3A_1285 : i32 to vector<16xi32>
        %add3A_1287 = arith.addi %add3A_100, %add3A_1286 : vector<16xi32>
        %min3A_1288 = arith.minsi %max3A_1284, %add3A_1287 : vector<16xi32>
        %gather3A_1289 = tpu.vector_load_idx %arg8[%min3A_1288] : memref<16384xf32, #tpu.memory_space<vmem>>[vector<16xi32>], vector<16xf32>,
        %gather3A_1290 = tpu.vector_load_idx %arg9[%min3A_1288] : memref<16384xf32, #tpu.memory_space<vmem>>[vector<16xi32>], vector<16xf32>,
        %mul3A_1291 = arith.mulf %gather3A_1289, %get3A_183 : vector<16xf32>
        %add3A_1292 = arith.addf %mul3A_1291, %gather3A_1290 : vector<16xf32>
        %add3A_1293 = arith.constant 240 : i32
        %add3A_1294 = arith.addi %mul3A_120, %add3A_1293 : i32
        %swap3A_1295 = arith.index_cast %add3A_1294 : i32 to index
        %swap3A_1296 = tpu.vector_load %arg11[%swap3A_1295] {strides = array<i32>} : memref<16384xf32, #tpu.memory_space<vmem>>, vector<16xf32>,
        tpu.vector_store %arg11[%swap3A_1295], %add3A_1292 {strides = array<i32>} : memref<16384xf32, #tpu.memory_space<vmem>>, vector<16xf32>,
      }
      %scan3A_117 = arith.constant 64 : i32
      "tpu.region"() ({
        %run_scoped3A = tpu.sem_alloc : memref<!tpu.dma_semaphore, #tpu.memory_space<semaphore_mem>>
        %dma_start3A = tpu.memref_slice %arg6[%add3A_111] : memref<16777216xf32, #tpu.memory_space<hbm>> -> memref<16384xf32, #tpu.memory_space<hbm>>
        %dma_start3A_118 = tpu.memref_slice %arg6[%add3A_111] : memref<16777216xf32, #tpu.memory_space<hbm>> -> memref<16384xf32, #tpu.memory_space<hbm>>
        tpu.enqueue_dma source(%arg11 : memref<16384xf32, #tpu.memory_space<vmem>>) target(%dma_start3A_118 : memref<16384xf32, #tpu.memory_space<hbm>>) target_semaphore(%run_scoped3A : memref<!tpu.dma_semaphore, #tpu.memory_space<semaphore_mem>>)
        %dma_wait3A = tpu.memref_slice %arg6[%add3A_111] : memref<16777216xf32, #tpu.memory_space<hbm>> -> memref<16384xf32, #tpu.memory_space<hbm>>
        %dma_wait3A_119 = tpu.memref_slice %arg6[%add3A_111] : memref<16777216xf32, #tpu.memory_space<hbm>> -> memref<16384xf32, #tpu.memory_space<hbm>>
        tpu.wait_dma2 semaphore(%run_scoped3A : memref<!tpu.dma_semaphore, #tpu.memory_space<semaphore_mem>>) src(%arg11 : memref<16384xf32, #tpu.memory_space<vmem>>) dst(%dma_wait3A_119 : memref<16384xf32, #tpu.memory_space<hbm>>)
        tpu.yield
      }) : () -> ()
    }
    %scan3A_105 = arith.constant 32 : i32
    return
  }
}

module attributes {stable_mosaic.version = 14 : i64} {
  func.func @_prep_kernel(%arg0: memref<64x256xf32, #tpu.memory_space<vmem>>, %arg1: memref<64x256xf32, #tpu.memory_space<vmem>>, %arg2: memref<1x256xf32, #tpu.memory_space<vmem>>, %arg3: memref<1x256xf32, #tpu.memory_space<vmem>>, %arg4: memref<64x256xf32, #tpu.memory_space<vmem>>, %arg5: memref<64x256xf32, #tpu.memory_space<vmem>>) attributes {dimension_semantics = [], scalar_prefetch = 0 : i64, scratch_operands = 0 : i64, tpu.core_type = #tpu.core_type<tc>} {
    %get3A = arith.constant 0 : index
    %get3A_0 = arith.constant 0 : index
    %get3A_1 = vector.load %arg0[%get3A, %get3A_0] : memref<64x256xf32, #tpu.memory_space<vmem>>, vector<64x256xf32>
    %get3A_2 = arith.constant 0 : index
    %get3A_3 = arith.constant 0 : index
    %get3A_4 = vector.load %arg1[%get3A_2, %get3A_3] : memref<64x256xf32, #tpu.memory_space<vmem>>, vector<64x256xf32>
    %iota3A = tpu.iota {dimensions = array<i32: 0>} : vector<64x64xi32>
    %iota3A_5 = tpu.iota {dimensions = array<i32: 1>} : vector<64x64xi32>
    %iota3A_6 = tpu.iota {dimensions = array<i32: 0>} : vector<64x256xi32>
    %add3A = arith.constant 1 : i32
    %add3A_7 = vector.broadcast %add3A : i32 to vector<64x64xi32>
    %add3A_8 = arith.addi %iota3A, %add3A_7 : vector<64x64xi32>
    %eq3A = arith.cmpi eq, %iota3A_5, %add3A_8 : vector<64x64xi32>
    %convert_element_type3A = arith.extui %eq3A : vector<64x64xi1> to vector<64x64xi32>
    %convert_element_type3A_9 = arith.sitofp %convert_element_type3A : vector<64x64xi32> to vector<64x64xf32>
    %eq3A_10 = arith.cmpi eq, %iota3A_5, %iota3A : vector<64x64xi32>
    %convert_element_type3A_11 = arith.extui %eq3A_10 : vector<64x64xi1> to vector<64x64xi32>
    %convert_element_type3A_12 = arith.sitofp %convert_element_type3A_11 : vector<64x64xi32> to vector<64x64xf32>
    %sub3A = arith.subf %convert_element_type3A_9, %convert_element_type3A_12 : vector<64x64xf32>
    %dot_general3A = arith.constant dense<0.000000e+00> : vector<64x256xf32>
    %dot_general3A_13 = tpu.matmul %sub3A, %get3A_1, %dot_general3A {dimension_numbers = #tpu.dot_dimension_numbers<[1], [0], [0], [1], [0, 0, 1, 1], [], []>, transpose_lhs_hint = false} : vector<64x64xf32>, vector<64x256xf32>, vector<64x256xf32> -> vector<64x256xf32>
    %eq3A_14 = arith.constant 63 : i32
    %eq3A_15 = vector.broadcast %eq3A_14 : i32 to vector<64x256xi32>
    %eq3A_16 = arith.cmpi eq, %iota3A_6, %eq3A_15 : vector<64x256xi32>
    %jit3A = arith.constant 0.000000e+00 : f32
    %broadcast_in_dim3A = vector.broadcast %jit3A : f32 to vector<64x256xf32>
    %select_n3A = arith.select %eq3A_16, %broadcast_in_dim3A, %dot_general3A_13 : vector<64x256xi1>, vector<64x256xf32>
    %custom_jvp_call3A = arith.constant 0.000000e+00 : f32
    %max3A = vector.broadcast %custom_jvp_call3A : f32 to vector<64x256xf32>
    %max3A_17 = arith.maximumf %get3A_4, %max3A : vector<64x256xf32>
    %sub3A_18 = vector.broadcast %custom_jvp_call3A : f32 to vector<64x256xf32>
    %sub3A_19 = arith.subf %get3A_4, %sub3A_18 : vector<64x256xf32>
    %ne3A = arith.cmpf one, %sub3A_19, %sub3A_19 : vector<64x256xf32>
    %add3A_20 = vector.broadcast %custom_jvp_call3A : f32 to vector<64x256xf32>
    %add3A_21 = arith.addf %get3A_4, %add3A_20 : vector<64x256xf32>
    %abs3A = math.absf %sub3A_19 : vector<64x256xf32>
    %neg3A = arith.constant 0.000000e+00 : f32
    %neg3A_22 = vector.broadcast %neg3A : f32 to vector<64x256xf32>
    %neg3A_23 = arith.subf %neg3A_22, %abs3A : vector<64x256xf32>
    %exp3A = math.exp %neg3A_23 : vector<64x256xf32>
    %log1p3A = math.log1p %exp3A : vector<64x256xf32>
    %add3A_24 = arith.addf %max3A_17, %log1p3A : vector<64x256xf32>
    %select_n3A_25 = arith.select %ne3A, %add3A_21, %add3A_24 : vector<64x256xi1>, vector<64x256xf32>
    %add3A_26 = arith.constant 9.99999974E-5 : f32
    %add3A_27 = vector.broadcast %add3A_26 : f32 to vector<64x256xf32>
    %add3A_28 = arith.addf %select_n3A_25, %add3A_27 : vector<64x256xf32>
    %mul3A = arith.mulf %add3A_28, %select_n3A : vector<64x256xf32>
    %reduce_sum3A = arith.constant dense<0.000000e+00> : vector<256xf32>
    %reduce_sum3A_29 = vector.multi_reduction <add>, %mul3A, %reduce_sum3A [0] : vector<64x256xf32> to vector<256xf32>
    %broadcast_in_dim3A_30 = vector.shape_cast %reduce_sum3A_29 : vector<256xf32> to vector<1x256xf32>
    %reduce_sum3A_31 = arith.constant dense<0.000000e+00> : vector<256xf32>
    %reduce_sum3A_32 = vector.multi_reduction <add>, %select_n3A, %reduce_sum3A_31 [0] : vector<64x256xf32> to vector<256xf32>
    %broadcast_in_dim3A_33 = vector.shape_cast %reduce_sum3A_32 : vector<256xf32> to vector<1x256xf32>
    %add3A_34 = arith.constant 9.99999993E-9 : f32
    %add3A_35 = vector.broadcast %add3A_34 : f32 to vector<1x256xf32>
    %add3A_36 = arith.addf %broadcast_in_dim3A_33, %add3A_35 : vector<1x256xf32>
    %div3A = arith.divf %broadcast_in_dim3A_30, %add3A_36 : vector<1x256xf32>
    %add3A_37 = arith.constant 9.99999993E-9 : f32
    %add3A_38 = vector.broadcast %add3A_37 : f32 to vector<1x256xf32>
    %add3A_39 = arith.addf %div3A, %add3A_38 : vector<1x256xf32>
    %div3A_40 = vector.broadcast %add3A_39 : vector<1x256xf32> to vector<64x256xf32>
    %div3A_41 = arith.divf %add3A_28, %div3A_40 : vector<64x256xf32>
    %lt3A = arith.cmpi slt, %iota3A_5, %iota3A : vector<64x64xi32>
    %convert_element_type3A_42 = arith.extui %lt3A : vector<64x64xi1> to vector<64x64xi32>
    %convert_element_type3A_43 = arith.sitofp %convert_element_type3A_42 : vector<64x64xi32> to vector<64x64xf32>
    %mul3A_44 = arith.mulf %div3A_41, %select_n3A : vector<64x256xf32>
    %dot_general3A_45 = arith.constant dense<0.000000e+00> : vector<64x256xf32>
    %dot_general3A_46 = tpu.matmul %convert_element_type3A_43, %mul3A_44, %dot_general3A_45 {dimension_numbers = #tpu.dot_dimension_numbers<[1], [0], [0], [1], [0, 0, 1, 1], [], []>, transpose_lhs_hint = false} : vector<64x64xf32>, vector<64x256xf32>, vector<64x256xf32> -> vector<64x256xf32>
    %get3A_47 = arith.constant 0 : index
    %get3A_48 = arith.constant 0 : index
    %get3A_49 = vector.load %arg2[%get3A_47, %get3A_48] : memref<1x256xf32, #tpu.memory_space<vmem>>, vector<1x256xf32>
    %custom_jvp_call3A_50 = arith.constant 0.000000e+00 : f32
    %max3A_51 = vector.broadcast %custom_jvp_call3A_50 : f32 to vector<1x256xf32>
    %max3A_52 = arith.maximumf %get3A_49, %max3A_51 : vector<1x256xf32>
    %sub3A_53 = vector.broadcast %custom_jvp_call3A_50 : f32 to vector<1x256xf32>
    %sub3A_54 = arith.subf %get3A_49, %sub3A_53 : vector<1x256xf32>
    %ne3A_55 = arith.cmpf one, %sub3A_54, %sub3A_54 : vector<1x256xf32>
    %add3A_56 = vector.broadcast %custom_jvp_call3A_50 : f32 to vector<1x256xf32>
    %add3A_57 = arith.addf %get3A_49, %add3A_56 : vector<1x256xf32>
    %abs3A_58 = math.absf %sub3A_54 : vector<1x256xf32>
    %neg3A_59 = arith.constant 0.000000e+00 : f32
    %neg3A_60 = vector.broadcast %neg3A_59 : f32 to vector<1x256xf32>
    %neg3A_61 = arith.subf %neg3A_60, %abs3A_58 : vector<1x256xf32>
    %exp3A_62 = math.exp %neg3A_61 : vector<1x256xf32>
    %log1p3A_63 = math.log1p %exp3A_62 : vector<1x256xf32>
    %add3A_64 = arith.addf %max3A_52, %log1p3A_63 : vector<1x256xf32>
    %select_n3A_65 = arith.select %ne3A_55, %add3A_57, %add3A_64 : vector<1x256xi1>, vector<1x256xf32>
    %add3A_66 = arith.constant 1.000000e-03 : f32
    %add3A_67 = vector.broadcast %add3A_66 : f32 to vector<1x256xf32>
    %add3A_68 = arith.addf %select_n3A_65, %add3A_67 : vector<1x256xf32>
    %get3A_69 = arith.constant 0 : index
    %get3A_70 = arith.constant 0 : index
    %get3A_71 = vector.load %arg3[%get3A_69, %get3A_70] : memref<1x256xf32, #tpu.memory_space<vmem>>, vector<1x256xf32>
    %mul3A_72 = vector.broadcast %add3A_68 : vector<1x256xf32> to vector<64x256xf32>
    %mul3A_73 = arith.mulf %div3A_41, %mul3A_72 : vector<64x256xf32>
    %swap3A = arith.constant 0 : index
    %swap3A_74 = arith.constant 0 : index
    %swap3A_75 = vector.load %arg4[%swap3A, %swap3A_74] : memref<64x256xf32, #tpu.memory_space<vmem>>, vector<64x256xf32>
    tpu.vector_store %arg4[%swap3A, %swap3A_74], %mul3A_73 {strides = array<i32>} : memref<64x256xf32, #tpu.memory_space<vmem>>, vector<64x256xf32>,
    %mul3A_76 = arith.mulf %div3A_41, %get3A_1 : vector<64x256xf32>
    %sub3A_77 = arith.subf %dot_general3A_46, %mul3A_76 : vector<64x256xf32>
    %mul3A_78 = vector.broadcast %add3A_68 : vector<1x256xf32> to vector<64x256xf32>
    %mul3A_79 = arith.mulf %sub3A_77, %mul3A_78 : vector<64x256xf32>
    %add3A_80 = vector.broadcast %get3A_71 : vector<1x256xf32> to vector<64x256xf32>
    %add3A_81 = arith.addf %mul3A_79, %add3A_80 : vector<64x256xf32>
    %swap3A_82 = arith.constant 0 : index
    %swap3A_83 = arith.constant 0 : index
    %swap3A_84 = vector.load %arg5[%swap3A_82, %swap3A_83] : memref<64x256xf32, #tpu.memory_space<vmem>>, vector<64x256xf32>
    tpu.vector_store %arg5[%swap3A_82, %swap3A_83], %add3A_81 {strides = array<i32>} : memref<64x256xf32, #tpu.memory_space<vmem>>, vector<64x256xf32>,
    return
  }
}

</mosaic_0001>

<sc_bundles>
// kernel: kernel.4.cloned.1.call-start
scs
__scs_entry_jumppad:
0x0: {  	(pc) =	sbr.rel $0x88, $3  }
0x1: {  	(tag) =	ssettag $0x0;
	lr =	simm.s32 $0x1  }
0x2: {  	[smem:$0x3F9C] =	sst lr;
	_ =	strace $0xD0000000  }
0x3: {  	_ = 	snop  }
0x4: {  	_ = 	snop  }
0x5: {  	_ = 	snop  }
0x6: {  	_ = 	snop  }
0x7: {  	_ = 	snop  }
__scs_overlays_trampoline_lowered:
0x8: {  	[smem:$0x3FAB] =	sst s0  }
0x9: {  	[smem:$0x3FAC] =	sst s1  }
0xa: {  	[smem:$0x3FAD] =	sst s2  }
0xb: {  	[smem:$0x3FAE] =	sst s3  }
0xc: {  	[smem:$0x3FAF] =	sst s4  }
0xd: {  	[smem:$0x3FB0] =	sst s5  }
0xe: {  	[smem:$0x3FB1] =	sst s6  }
0xf: {  	[smem:$0x3FB2] =	sst s7  }
0x10: {  	[smem:$0x3FB3] =	sst s8  }
0x11: {  	[smem:$0x3FB4] =	sst s9;
	s0 =	simm.s32 @!p0 $0x0  }
0x12: {  	s1 =	sld [smem:$0x3F9A];
	s0 =	simm.s32 @p0 $0x1  }
0x13: {  	[smem:$0x3FB5] =	sst s0;
	s0 =	simm.s32 @!p1 $0x0  }
0x14: {  	s2 =	sld [smem:$0x3F99];
	s0 =	simm.s32 @p1 $0x1  }
0x15: {  	[smem:$0x3FB6] =	sst s0;
	s0 =	simm.s32 @!p2 $0x0  }
0x16: {  	s3 =	sld [smem:$0x3FDB];
	s0 =	simm.s32 @p2 $0x1  }
0x17: {  	s4 =	simm.s32 $0x1BF5;
	[smem:$0x3FB8] =	sst s0  }
0x18: {  	s0 =	sld [smem:$0x3F9B];
	_ =	swait.ge [sflag:s4], $0x0  }
0x19: {  	s7 =	sld [smem:$0x3F9C]  }
0x1a: {  	s8 =	sadd.s32 $0xFFFFE003, lr  }
0x1b: {  	s9 =	sadd.s32 $0xFFFFFEF7, lr;
	s5 =	simm.s32 $0xFFFFFFFF;
	p2 =	slt.u32 s8, $0xFFFFF086  }
0x1c: {  	p1 =	slt.u32 s9, $0xF7A;
	s5 =	simm.s32 @!p2 $0x0  }
0x1d: {  	s5 =	simm.s32 @p1 $0x1;
	p0 =	seq.s32 s7, s2  }
0x1e: {  	s7 =	smul.u32 @!p0 $0xF7A, s2;
	p2 =	seq.s32 @!p0 s5, $0x0  }
0x1f: {  	s9 =	smul.u32 $0xF7A, s1;
	s8 =	simm.s32 @!p0 $0x1BF5;
	p2 =	por !p2, p0  }
0x20: {  	[sflag:s8] =	ssyncset.s32 @!p0 $0xFFFFF086;
	s6 =	sadd.s32 @!p0 s3, s7;
	s7 =	simm.s32 @!p0 $0x108  }
0x21: {  	s3 =	sadd.s32 s3, s9;
	s6 =	sadd.s32 @!p0 $0x88, s6;
	s7 =	simm.s32 @p2 $0x1082  }
0x22: {  	[simem:s7], [sflag:s8] =	dma.local @!p0 [hbm:s6], $0xF7A  }
0x23: {  	s9 =	sor.u32 $0xD0000000, s2;
	s6 =	simm.s32 $0x108;
	_ =	swait.ge @!p0 [sflag:s8], $0x0  }
0x24: {  	s3 =	sadd.s32 $0x88, s3;
	s6 =	simm.s32 @!p1 $0x1082;
	[sflag:s4] =	ssyncset.s32 $0xFFFFF086  }
0x25: {  	[simem:s6], [sflag:s4] =	dma.local [hbm:s3], $0xF7A  }
0x26: {  	[smem:$0x3F9C] =	sst s1;
	(tag) =	ssettag s2;
	_ =	strace s9  }
0x27: {  	s1 =	sld [smem:$0x3FAC]  }
0x28: {  	s2 =	sld [smem:$0x3FAD]  }
0x29: {  	s4 =	sld [smem:$0x3FAF]  }
0x2a: {  	p0 =	seq.s32 s5, $0x0;
	s5 =	sld [smem:$0x3FB0]  }
0x2b: {  	s6 =	sld [smem:$0x3FB1]  }
0x2c: {  	s7 =	sld [smem:$0x3FB2]  }
0x2d: {  	s3 =	simm.s32 $0x108;
	s8 =	sld [smem:$0x3FB3]  }
0x2e: {  	s3 =	simm.s32 @!p0 $0x1082;
	s9 =	sld [smem:$0x3FB4]  }
0x2f: {  	lr =	sadd.s32 s0, s3;
	s0 =	sld [smem:$0x3FAB]  }
0x30: {  	s3 =	sld [smem:$0x3FAE]  }
0x31: {  	[smem:$0x3FB7] =	sst s10  }
0x32: {  	s10 =	sld [smem:$0x3FB5];
	_ =	sdelay $0x3  }
0x33: {  	p0 =	seq.s32 s10, $0x1;
	s10 =	sld [smem:$0x3FB7];
	_ =	sdelay $0x3  }
0x34: {  	[smem:$0x3FB7] =	sst s10  }
0x35: {  	s10 =	sld [smem:$0x3FB6];
	_ =	sdelay $0x3  }
0x36: {  	p1 =	seq.s32 s10, $0x1;
	s10 =	sld [smem:$0x3FB7];
	_ =	sdelay $0x3  }
0x37: {  	[smem:$0x3FB7] =	sst s10  }
0x38: {  	s10 =	sld [smem:$0x3FB8]  }
0x39: {  	_ = 	snop;
	(pc) =	sbr.ind lr, $3  }
0x3a: {  	_ = 	snop  }
0x3b: {  	_ = 	snop  }
0x3c: {  	p2 =	seq.s32 s10, $0x1;
	s10 =	sld [smem:$0x3FB7]  }
0x3d: {  	_ =	shalt  }
0x3e: {  	_ =	shalt  }
0x3f: {  	_ =	shalt  }
0x40: {  	_ =	shalt  }
0x41: {  	_ =	shalt  }
0x42: {  	_ =	shalt  }
0x43: {  	_ =	shalt  }
0x44: {  	_ =	shalt  }
0x45: {  	_ =	shalt  }
0x46: {  	_ =	shalt  }
0x47: {  	_ =	shalt  }
0x48: {  	_ =	shalt  }
0x49: {  	_ =	shalt  }
0x4a: {  	_ =	shalt  }
0x4b: {  	_ =	shalt  }
0x4c: {  	_ =	shalt  }
0x4d: {  	_ =	shalt  }
0x4e: {  	_ =	shalt  }
0x4f: {  	_ =	shalt  }
0x50: {  	_ =	shalt  }
0x51: {  	_ =	shalt  }
0x52: {  	_ =	shalt  }
0x53: {  	_ =	shalt  }
0x54: {  	_ =	shalt  }
0x55: {  	_ =	shalt  }
0x56: {  	_ =	shalt  }
0x57: {  	_ =	shalt  }
0x58: {  	_ =	shalt  }
0x59: {  	_ =	shalt  }
0x5a: {  	_ =	shalt  }
0x5b: {  	_ =	shalt  }
0x5c: {  	_ =	shalt  }
0x5d: {  	_ =	shalt  }
0x5e: {  	_ =	shalt  }
0x5f: {  	_ =	shalt  }
0x60: {  	_ =	shalt  }
0x61: {  	_ =	shalt  }
0x62: {  	_ =	shalt  }
0x63: {  	_ =	shalt  }
0x64: {  	_ =	shalt  }
0x65: {  	_ =	shalt  }
0x66: {  	_ =	shalt  }
0x67: {  	_ =	shalt  }
0x68: {  	_ =	shalt  }
0x69: {  	_ =	shalt  }
0x6a: {  	_ =	shalt  }
0x6b: {  	_ =	shalt  }
0x6c: {  	_ =	shalt  }
0x6d: {  	_ =	shalt  }
0x6e: {  	_ =	shalt  }
0x6f: {  	_ =	shalt  }
0x70: {  	_ =	shalt  }
0x71: {  	_ =	shalt  }
0x72: {  	_ =	shalt  }
0x73: {  	_ =	shalt  }
0x74: {  	_ =	shalt  }
0x75: {  	_ =	shalt  }
0x76: {  	_ =	shalt  }
0x77: {  	_ =	shalt  }
0x78: {  	_ =	shalt  }
0x79: {  	_ =	shalt  }
0x7a: {  	_ =	shalt  }
0x7b: {  	_ =	shalt  }
0x7c: {  	_ =	shalt  }
0x7d: {  	_ =	shalt  }
0x7e: {  	_ =	shalt  }
0x7f: {  	_ =	shalt  }
0x80: {  	_ =	shalt  }
0x81: {  	_ =	shalt  }
0x82: {  	_ =	shalt  }
0x83: {  	_ =	shalt  }
0x84: {  	_ =	shalt  }
0x85: {  	_ =	shalt  }
0x86: {  	_ =	shalt  }
0x87: {  	_ =	shalt  }
.Lfunc_end0:
.L_simem_size_0:
called_computation.1_lowered:
.L_overlay_start_0:
0x88: {  	s2 =	sld [smem:$0x3FD9]  }
0x89: {  	s3 =	sld [smem:$0x3FFE];
	_ =	sdelay $0x1  }
0x8a: {  	s1 =	srdreg.scid  }
0x8b: {  	s0 =	sand.u32 $0x1, s1  }
0x8c: {  	s17 =	sshll.u32 s0, $0xA;
	s2 =	sadd.s32 s3, s2  }
0x8d: {  	s2 =	sadd.s32 s2, s17  }
0x8e: {  	[smem:$0x3FC3] =	sst s2  }
0x8f: {  	_ = 	snop  }
0x90: {  	s2 =	sld [smem:$0x3FD0];
	(tm) =	ssettm $0x1  }
0x91: {  	s18 =	sld [smem:$0x3FFB];
	_ =	sdelay $0x3  }
0x92: {  	_ =	strace s18  }
0x93: {  	s3 =	sld [smem:$0x3FFC];
	_ =	sdelay $0x3  }
0x94: {  	_ =	strace s3  }
0x95: {  	s3 =	sld [smem:$0x3FFD];
	_ =	sdelay $0x3  }
0x96: {  	_ =	strace s3  }
0x97: {  	_ =	strace $0x8FFFFFFF  }
0x98: {  	s19 =	sld [smem:$0x3FDB];
	_ =	sdelay $0x1  }
0x99: {  	s4 =	simm.s32 $_scs_section_size  }
0x9a: {  	s5 =	simm.s32 $_size__tile_overlayer_lowered;
	s6 =	simm.s32 $_tile_overlayer_lowered  }
0x9b: {  	s22 =	simm.s32 $0x1BFF;
	s21 =	sshll.u32 s6, $0x1;
	s3 =	sadd.s32 s4, s19  }
0x9c: {  	s7 =	simm.s32 $0x0;
	s20 =	sshll.u32 s5, $0x1;
	s5 =	sadd.s32 s21, s3  }
0x9d: {  	[timem:s7], [sflag:s22] =	dma.local [hbm:s5], s20  }
0x9e: {  	_ =	swait.ge [sflag:s22], s20  }
0x9f: {  	s4 =	ssub.s32 $0x0, s20;
	[sflag:s22] =	ssyncset.done $0x0  }
0xa0: {  	[sflag:s22] =	ssyncadd.s32 s4;
	_ =	sdelay $0x1  }
0xa1: {  	s23 =	simm.s32 $0x1B8B  }
0xa2: {  	_ =	swait.ge [sflag:s23], $0x1  }
0xa3: {  	[sflag:s23] =	ssyncset.done $0x0  }
0xa4: {  	s25 =	simm.s32 $0x1B8E;
	s24 =	sld [smem:$0x3FFE];
	[sflag:s23] =	ssyncadd.s32 $0xFFFFFFFF  }
0xa5: {  	s26 =	simm.s32 $execute0_lowered;
	[smem:$0x3FD2] =	sst s25  }
0xa6: {  	s5 =	sshll.u32 s26, $0x1;
	_ =	strace $0x80000049;
	[dreg:$0x1] =	wrdreg $0xFFFFFFFF  }
0xa7: {  	s28 =	simm.s32 $_size_execute0_lowered;
	s3 =	sadd.s32 s3, s5;
	[dreg:$0x0] =	wrdreg $0x0  }
0xa8: {  	s5 =	sshll.u32 s28, $0x1;
	[dreg:$0x2] =	wrdreg s3  }
0xa9: {  	[dreg:$0x3] =	wrdreg s5  }
0xaa: {  	[dreg:$0x4] =	wrdreg $0xC0  }
0xab: {  	_ =	task [dreg:s7], $0x5FFFF  }
0xac: {  	[dreg:$0x1] =	wrdreg $0xFFFFFFFF  }
0xad: {  	[dreg:$0x0] =	wrdreg $0x60  }
0xae: {  	[dreg:$0x2] =	wrdreg s2  }
0xaf: {  	[dreg:$0x3] =	wrdreg s24  }
0xb0: {  	[dreg:$0x4] =	wrdreg $0x9  }
0xb1: {  	_ =	task.clear_ibuf [dreg:s7], $0x5FFFF;
	_ =	strace $0x90000049  }
0xb2: {  	s29 =	simm.s32 $0x9;
	_ =	strace $0x8000004B  }
0xb3: {  	_ =	swait.ge [sflag:s29], $0x1  }
0xb4: {  	[sflag:s29] =	ssyncadd.s32 $0xFFFFFFFF  }
0xb5: {  	_ =	strace $0x9000004B  }
0xb6: {  	_ =	sfence  }
0xb7: {  	s30 =	sld [smem:$0x0];
	_ =	sdelay $0x2  }
0xb8: {  	s31 =	sshll.u32 s1, $0xD;
	s1 =	sshrl.u32 s1, $0x2  }
0xb9: {  	s3 =	sand.u32 $0x4000, s31;
	s1 =	sadd.s32 s1, s30  }
0xba: {  	s0 =	sor.u32 s3, s0;
	s1 =	sshll.u32 s1, $0x11  }
0xbb: {  	s0 =	sor.u32 s1, s0  }
0xbc: {  	s0 =	sadd.s32 $0x8F2B, s0  }
0xbd: {  	[sflag:s0] =	ssyncadd.remote.s32 $0x1  }
0xbe: {  	_ =	sfence.sel $0xFFFF  }
0xbf: {  	[dreg:$0x0] =	wrdreg $0xFFFFFFFF;
	(pc) =	sbr.abs _section_cstart, $3  }
0xc0: {  	[dreg:$0x1] =	wrdreg $0xFFFFFFFF  }
0xc1: {  	_ =	task.clear_ibuf [dreg:s7], $0x2FFFF;
	_ =	strace $0x9FFFFFFF  }
0xc2: {  	(tm) =	ssettm $0x7FFFFFFF  }
0xc3: {  	_ =	shalt  }
tec
execute0_lowered:
.L_overlay_start_1:
0x0: {  	(tag) =	ssettag $0x1  }
0x1: {  	v1 =	vlaneseq.u32  }
0x2: {  	v0 =	vmul.u32 $0x40, v1;
	_ =	sdelay $0x1  }
0x3: {  	v2 =	vor.u32 $0x400, v0  }
0x4: {  	s0 =	rddreg [dreg:$0x0];
	v3 =	vor.u32 $0x3020, v0;
	[tilespmem:$0x1FCC0] =	vst v2  }
0x5: {  	s7 =	rddreg [dreg:$0x1];
	s2 =	simm.s32 $0x0;
	v2 =	vor.u32 $0x2820, v0;
	[tilespmem:$0x1FCE0] =	vst v3  }
0x6: {  	[smem:$0x7FF] =	sst s2;
	v1 =	vshrl.u32 v1, $0x1;
	v3 =	vor.u32 $0x3420, v0;
	[tilespmem:$0x1FCD0] =	vst v2  }
0x7: {  	s1 =	rddreg [dreg:$0x2];
	v45 =	vmul.u32 $0x80, v1;
	v1 =	vor.u32 $0x3820, v0;
	_ =	strace $0x8000004A;
	[tilespmem:$0x1FCF0] =	vst v3  }
0x8: {  	v63 =	vor.u32 $0x41F, v0;
	[tilespmem:$0x1FD00] =	vst v1  }
0x9: {  	v59 =	vor.u32 $0x341F, v0;
	[tilespmem:$0x1FE00] =	vst v63  }
0xa: {  	v28 =	vor.u32 $0x81F, v0;
	[tilespmem:$0x1FE10] =	vst v59  }
0xb: {  	v48 =	vor.u32 $0x3C1F, v0;
	[tilespmem:$0x1FE20] =	vst v28  }
0xc: {  	v7 =	vor.u32 $0x1F, v0;
	[tilespmem:$0x1FE30] =	vst v48  }
0xd: {  	v30 =	vor.u32 $0xC1F, v0;
	[tilespmem:$0x1FE40] =	vst v7  }
0xe: {  	v32 =	vor.u32 $0x101F, v0;
	[tilespmem:$0x1FE50] =	vst v30  }
0xf: {  	v34 =	vor.u32 $0x141F, v0;
	[tilespmem:$0x1FE60] =	vst v32  }
0x10: {  	v43 =	vor.u32 $0x820, v0;
	[tilespmem:$0x1FE70] =	vst v34  }
0x11: {  	v35 =	vor.u32 $0x181F, v0;
	[tilespmem:$0x1FE80] =	vst v43  }
0x12: {  	v36 =	vor.u32 $0x1C1F, v0;
	[tilespmem:$0x1FE90] =	vst v35  }
0x13: {  	v37 =	vor.u32 $0x201F, v0;
	[tilespmem:$0x1FEA0] =	vst v36  }
0x14: {  	v39 =	vor.u32 $0x241F, v0;
	[tilespmem:$0x1FEB0] =	vst v37  }
0x15: {  	v42 =	vor.u32 $0x1020, v0;
	[tilespmem:$0x1FEC0] =	vst v39  }
0x16: {  	v49 =	vor.u32 $0x1420, v0;
	[tilespmem:$0x1FED0] =	vst v42  }
0x17: {  	v44 =	vor.u32 $0x281F, v0;
	[tilespmem:$0x1FEE0] =	vst v49  }
0x18: {  	v51 =	vor.u32 $0x1820, v0;
	[tilespmem:$0x1FEF0] =	vst v44  }
0x19: {  	v46 =	vor.u32 $0x2C1F, v0;
	[tilespmem:$0x1FF00] =	vst v51  }
0x1a: {  	v47 =	vor.u32 $0x1C20, v0;
	[tilespmem:$0x1FF10] =	vst v46  }
0x1b: {  	v54 =	vor.u32 $0x2000, v0;
	[tilespmem:$0x1FF20] =	vst v47  }
0x1c: {  	v38 =	vor.u32 $0xC20, v0;
	[tilespmem:$0x1FF30] =	vst v54  }
0x1d: {  	v26 =	vor.u32 $0x301F, v0;
	[tilespmem:$0x1FF40] =	vst v38  }
0x1e: {  	v58 =	vor.u32 $0x2420, v0;
	[tilespmem:$0x1FF50] =	vst v26  }
0x1f: {  	v2 =	vor.u32 $0x2C20, v0;
	[tilespmem:$0x1FF60] =	vst v58  }
0x20: {  	v10 =	vor.u32 $0x3000, v0;
	[tilespmem:$0x1FF70] =	vst v2  }
0x21: {  	v9 =	vor.u32 $0x3400, v0;
	[tilespmem:$0x1FF80] =	vst v10  }
0x22: {  	v8 =	vor.u32 $0x3800, v0;
	[tilespmem:$0x1FF90] =	vst v9  }
0x23: {  	v11 =	vor.u32 $0x3C00, v0;
	[tilespmem:$0x1FFA0] =	vst v8  }
0x24: {  	v40 =	vor.u32 $0x1400, v0;
	[tilespmem:$0x1FFB0] =	vst v11  }
0x25: {  	v52 =	vor.u32 $0x1800, v0;
	[tilespmem:$0x1FFC0] =	vst v40  }
0x26: {  	v20 =	vor.u32 $0x2C00, v0;
	[tilespmem:$0x1FFD0] =	vst v52  }
0x27: {  	v18 =	vor.u32 $0x2800, v0;
	[tilespmem:$0x1FFE0] =	vst v20  }
0x28: {  	v1 =	vor.u32 $0x3C20, v0;
	[tilespmem:$0x1FFF0] =	vst v18  }
0x29: {  	[tilespmem:$0x1FD10] =	vst v1;
	v1 =	vor.u32 $0xF, v45  }
0x2a: {  	[tilespmem:$0x1FD20] =	vst v1;
	v1 =	vor.u32 $0x40F, v45  }
0x2b: {  	[tilespmem:$0x1FD30] =	vst v1;
	v1 =	vor.u32 $0x80F, v45  }
0x2c: {  	[tilespmem:$0x1FD40] =	vst v1;
	v1 =	vor.u32 $0xC0F, v45  }
0x2d: {  	[tilespmem:$0x1FD50] =	vst v1;
	v1 =	vor.u32 $0x100F, v45  }
0x2e: {  	[tilespmem:$0x1FD60] =	vst v1;
	v1 =	vor.u32 $0x140F, v45  }
0x2f: {  	[tilespmem:$0x1FD70] =	vst v1;
	v1 =	vor.u32 $0x180F, v45  }
0x30: {  	[tilespmem:$0x1FD80] =	vst v1;
	v1 =	vor.u32 $0x1C0F, v45  }
0x31: {  	s3 =	srdreg.scid;
	s5 =	stileid.u32;
	[tilespmem:$0x1FD90] =	vst v1;
	v1 =	vor.u32 $0x200F, v45  }
0x32: {  	s11 =	simm.s32 $0x4000;
	s12 =	simm.s32 $0x8000;
	s13 =	simm.s32 $0xC000;
	[tilespmem:$0x1FDA0] =	vst v1;
	v1 =	vor.u32 $0x240F, v45  }
0x33: {  	s14 =	simm.s32 $0x10000;
	s15 =	simm.s32 $0x0;
	s8 =	sand.u32 $0x1, s3;
	[tilespmem:$0x1FDB0] =	vst v1;
	v1 =	vor.u32 $0x280F, v45  }
0x34: {  	s3 =	sadd.s32 $0x2200, s7;
	s4 =	sadd.s32 $0x1A00, s7;
	s9 =	ssub.s32 $0x2, s8;
	v22 =	vor.u32 $0x381F, v0;
	v24 =	vor.u32 $0x20, v0;
	[tilespmem:$0x1FDC0] =	vst v1;
	v1 =	vor.u32 $0x2C0F, v45  }
0x35: {  	s6 =	sadd.s32 $0x1200, s7;
	s31 =	sshll.u32 s5, $0x11;
	v41 =	vor.u32 $0x420, v0;
	v60 =	vor.u32 $0x800, v0;
	s10 =	sshrl.u32 s9, $0x1;
	[tilespmem:$0x1FDD0] =	vst v1;
	v1 =	vor.u32 $0x300F, v45  }
0x36: {  	s7 =	sadd.s32 $0x2A00, s7;
	s8 =	sshll.u32 s8, $0x10;
	v53 =	vor.u32 $0xC00, v0;
	v50 =	vor.u32 $0x1000, v0;
	s9 =	ssub.s32 s9, s10;
	[tilespmem:$0x1FDE0] =	vst v1;
	v1 =	vor.u32 $0x340F, v45  }
0x37: {  	v55 =	vor.u32 $0x1C00, v0;
	v56 =	vor.u32 $0x2020, v0;
	v57 =	vor.u32 $0x2400, v0;
	s8 =	sor.u32 s8, s31;
	s10 =	simm.s32 $0x1;
	s9 =	smax.u32 s9, $0x1;
	[tilespmem:$0x1FDF0] =	vst v1  }
.LBB2_1:
0x38: {  	[tilespmem:s2], [sflag:$0x1] =	stream.linear.gather [hbm4b:s3+s2], $0x4000, $0x38;
	[tilespmem:$0x14000] =	vst v63  }
0x39: {  	_ =	swait.ge [sflag:s10], $0x4000  }
0x3a: {  	[sflag:s10] =	ssyncset.done $0x0  }
0x3b: {  	[sflag:s10] =	ssyncadd.s32 $0xFFFFC000  }
0x3c: {  	[tilespmem:s11], [sflag:$0x1] =	stream.linear.gather [hbm4b:s4+s2], $0x4000, $0x38;
	[tilespmem:$0x14000] =	vst v63  }
0x3d: {  	_ =	swait.ge [sflag:s10], $0x4000  }
0x3e: {  	[sflag:s10] =	ssyncset.done $0x0  }
0x3f: {  	[sflag:s10] =	ssyncadd.s32 $0xFFFFC000  }
0x40: {  	[tilespmem:s12], [sflag:$0x1] =	stream.linear.gather [hbm4b:s6+s2], $0x4000, $0x38;
	[tilespmem:$0x14000] =	vst v63  }
0x41: {  	_ =	swait.ge [sflag:s10], $0x4000  }
0x42: {  	[sflag:s10] =	ssyncset.done $0x0  }
0x43: {  	s16 =	simm.s32 $0x0;
	[sflag:s10] =	ssyncadd.s32 $0xFFFFC000  }
.LBB2_2:
0x44: {  	s17 =	sshll.u32 s16, $0xB  }
0x45: {  	s17 =	sadd.s32 s8, s17  }
0x46: {  	s18 =	simm.s32 $0x0;
	s19 =	sadd.s32 s0, s17  }
0x47: {  	[tilespmem:s13], [sflag:$0x1] =	stream.linear.gather [hbm4b:s19+s18], $0x4000, $0x38;
	[tilespmem:$0x14000] =	vst v63  }
0x48: {  	_ =	swait.ge [sflag:s10], $0x4000  }
0x49: {  	[sflag:s10] =	ssyncset.done $0x0  }
0x4a: {  	[sflag:s10] =	ssyncadd.s32 $0xFFFFC000  }
.LBB2_3:
0x4b: {  	v17 =	vld [tilespmem:$0x1FE40];
	_ =	sdelay $0x2  }
0x4c: {  	s19 =	sshra.s32 s18, $0x2;
	v1 =	vld [tilespmem:$0x1FCD0]  }
0x4d: {  	v16 =	vld [tilespmem:s19+$0xC000]  }
0x4e: {  	v15 =	vld [tilespmem:s19+$0xC010]  }
0x4f: {  	v14 =	vld [tilespmem:s19+$0xC020]  }
0x50: {  	v12 =	vld [tilespmem:s19+$0xC040]  }
0x51: {  	v17 =	vld.idx.msk [tilespmem:v17+s2+$0x0], $0xffff  }
0x52: {  	v6 =	vld [tilespmem:s19+$0xC0A0]  }
0x53: {  	v5 =	vld [tilespmem:s19+$0xC0B0]  }
0x54: {  	v19 =	vld.idx.msk [tilespmem:v63+s2+$0x0], $0xffff  }
0x55: {  	v63 =	vld.idx.msk [tilespmem:v44+s2+$0x0], $0xffff  }
0x56: {  	vm0 =	vlt.f32 v17, v16;
	v17 =	vld.idx.msk [tilespmem:v46+s2+$0x0], $0xffff  }
0x57: {  	v4 =	vld [tilespmem:s19+$0xC0C0]  }
0x58: {  	v21 =	vld.idx.msk [tilespmem:v28+s2+$0x0], $0xffff  }
0x59: {  	v33 =	vld.idx.msk [tilespmem:v37+s2+$0x0], $0xffff  }
0x5a: {  	vm6 =	vlt.f32 v19, v15;
	v19 =	vld.idx.msk [tilespmem:v26+s2+$0x0], $0xffff;
	vm14 =	vlt.f32 v63, v6  }
0x5b: {  	v37 =	vsel vm14, v1, v18;
	v1 =	vld [tilespmem:$0x1FF80];
	vm15 =	vlt.f32 v17, v5  }
0x5c: {  	v17 =	vsel vm15, v2, v20;
	v2 =	vld [tilespmem:$0x1FCE0]  }
0x5d: {  	v11 =	vld [tilespmem:s19+$0xC050]  }
0x5e: {  	v3 =	vld [tilespmem:s19+$0xC0D0]  }
0x5f: {  	v25 =	vld.idx.msk [tilespmem:v32+s2+$0x0], $0xffff  }
0x60: {  	vm7 =	vlt.f32 v21, v14;
	v21 =	vld.idx.msk [tilespmem:v59+s2+$0x0], $0xffff;
	vm4 =	vlt.f32 v19, v4  }
0x61: {  	v19 =	vsel vm4, v2, v1;
	v1 =	vld [tilespmem:$0x1FF90]  }
0x62: {  	v2 =	vld [tilespmem:$0x1FCF0]  }
0x63: {  	v61 =	vld [tilespmem:s19+$0xC0E0]  }
0x64: {  	v27 =	vld.idx.msk [tilespmem:v34+s2+$0x0], $0xffff  }
0x65: {  	v34 =	vld [tilespmem:$0x1FCC0]  }
0x66: {  	vm8 =	vlt.f32 v25, v12;
	v25 =	vld.idx.msk [tilespmem:v22+s2+$0x0], $0xffff;
	vm5 =	vlt.f32 v21, v3  }
0x67: {  	v21 =	vsel vm5, v2, v1;
	v1 =	vld [tilespmem:$0x1FFA0]  }
0x68: {  	v2 =	vld [tilespmem:$0x1FD00]  }
0x69: {  	v13 =	vld [tilespmem:s19+$0xC030]  }
0x6a: {  	v62 =	vld [tilespmem:s19+$0xC0F0]  }
0x6b: {  	v23 =	vld.idx.msk [tilespmem:v30+s2+$0x0], $0xffff;
	v28 =	vmov v41  }
0x6c: {  	vm9 =	vlt.f32 v27, v11;
	v27 =	vld.idx.msk [tilespmem:v48+s2+$0x0], $0xffff;
	v41 =	vsel vm6, v41, v34;
	vm6 =	vlt.f32 v25, v61  }
0x6d: {  	v25 =	vsel vm6, v2, v1;
	v1 =	vld [tilespmem:$0x1FFB0]  }
0x6e: {  	v2 =	vld [tilespmem:$0x1FD10];
	_ =	sdelay $0x2  }
0x6f: {  	v10 =	vld [tilespmem:s19+$0xC060]  }
0x70: {  	v29 =	vld.idx.msk [tilespmem:v35+s2+$0x0], $0xffff;
	vm1 =	vlt.f32 v23, v13;
	v23 =	vsel vm7, v43, v60;
	vm7 =	vlt.f32 v27, v62  }
0x71: {  	v27 =	vsel vm7, v2, v1;
	v1 =	vld [tilespmem:$0x1FD20];
	_ =	sdelay $0x1  }
0x72: {  	v9 =	vld [tilespmem:s19+$0xC070]  }
0x73: {  	v35 =	vld.idx.msk [tilespmem:v39+s2+$0x0], $0xffff;
	v39 =	vsel vm0, v24, v0  }
0x74: {  	v31 =	vld.idx.msk [tilespmem:v36+s2+$0x0], $0xffff;
	v46 =	vsel vm8, v42, v50;
	v42 =	vand.u32 $0x60, v39  }
0x75: {  	vm10 =	vlt.f32 v29, v10;
	v29 =	vsel vm9, v49, v40;
	v49 =	vor.u32 v1, v42;
	v1 =	vld [tilespmem:$0x1FD30];
	_ =	sdelay $0x2  }
0x76: {  	v8 =	vld [tilespmem:s19+$0xC080]  }
0x77: {  	vm11 =	vlt.f32 v31, v9;
	v44 =	vand.u32 $0x60, v41  }
0x78: {  	v31 =	vsel vm11, v47, v55;
	v47 =	vmov v50;
	v50 =	vor.u32 v1, v44;
	v1 =	vld [tilespmem:$0x1FD40];
	_ =	sdelay $0x2  }
0x79: {  	v7 =	vld [tilespmem:s19+$0xC090];
	vm12 =	vlt.f32 v33, v8  }
0x7a: {  	v33 =	vsel vm12, v56, v54;
	v54 =	vand.u32 $0x60, v23  }
0x7b: {  	v48 =	vsel vm10, v51, v52;
	v51 =	vor.u32 v1, v54;
	v1 =	vld [tilespmem:$0x1FD50];
	_ =	sdelay $0x2  }
0x7c: {  	vm13 =	vlt.f32 v35, v7;
	v43 =	vsel vm1, v38, v53  }
0x7d: {  	v35 =	vsel vm13, v58, v57;
	v58 =	vand.u32 $0x60, v43  }
0x7e: {  	v52 =	vor.u32 v1, v58;
	v1 =	vld [tilespmem:$0x1FD60];
	_ =	sdelay $0x3  }
0x7f: {  	v59 =	vand.u32 $0x60, v46  }
0x80: {  	v40 =	vmov v53;
	v53 =	vor.u32 v1, v59;
	v1 =	vld [tilespmem:$0x1FD70];
	_ =	sdelay $0x3  }
0x81: {  	v30 =	vmov v24;
	v24 =	vmov v61;
	v61 =	vand.u32 $0x60, v29  }
0x82: {  	v54 =	vor.u32 v1, v61;
	v1 =	vld [tilespmem:$0x1FD80];
	_ =	sdelay $0x3  }
0x83: {  	v26 =	vmov v62;
	v62 =	vand.u32 $0x60, v48  }
0x84: {  	v38 =	vmov v55;
	v55 =	vor.u32 v1, v62;
	v1 =	vld [tilespmem:$0x1FD90];
	_ =	sdelay $0x3  }
0x85: {  	v63 =	vand.u32 $0x60, v31  }
0x86: {  	v44 =	vmov v56;
	v56 =	vor.u32 v1, v63;
	v1 =	vld [tilespmem:$0x1FDA0];
	_ =	sdelay $0x3  }
0x87: {  	v32 =	vand.u32 $0x60, v33  }
0x88: {  	v36 =	vmov v57;
	v57 =	vor.u32 v1, v32;
	v1 =	vld [tilespmem:$0x1FDB0];
	_ =	sdelay $0x1  }
0x89: {  	v49 =	vld.idx.msk [tilespmem:v49+s2+$0x0], $0xffff  }
0x8a: {  	v50 =	vld.idx.msk [tilespmem:v50+s2+$0x0], $0xffff  }
0x8b: {  	v58 =	vand.u32 $0x60, v35;
	v51 =	vld.idx.msk [tilespmem:v51+s2+$0x0], $0xffff  }
0x8c: {  	v20 =	vor.u32 $0x3C0F, v45;
	v62 =	vand.u32 $0x60, v27;
	v58 =	vor.u32 v1, v58;
	v1 =	vld [tilespmem:$0x1FDC0]  }
0x8d: {  	v52 =	vld.idx.msk [tilespmem:v52+s2+$0x0], $0xffff;
	v20 =	vor.u32 v20, v62  }
0x8e: {  	v53 =	vld.idx.msk [tilespmem:v53+s2+$0x0], $0xffff  }
0x8f: {  	v54 =	vld.idx.msk [tilespmem:v54+s2+$0x0], $0xffff  }
0x90: {  	vm8 =	vlt.f32 v49, v16;
	v59 =	vand.u32 $0x60, v37;
	v49 =	vld.idx.msk [tilespmem:v55+s2+$0x0], $0xffff  }
0x91: {  	v18 =	vor.u32 $0x380F, v45;
	v59 =	vor.u32 v1, v59;
	v1 =	vld [tilespmem:$0x1FDD0]  }
0x92: {  	v42 =	vand.u32 $0x60, v17;
	vm9 =	vlt.f32 v50, v15;
	v50 =	vor.u32 $0x10, v41;
	v20 =	vld.idx.msk [tilespmem:v20+s2+$0x0], $0xffff  }
0x93: {  	v41 =	vsel vm9, v50, v41;
	vm10 =	vlt.f32 v51, v14;
	v51 =	vor.u32 $0x10, v23;
	v56 =	vld.idx.msk [tilespmem:v56+s2+$0x0], $0xffff  }
0x94: {  	v23 =	vsel vm10, v51, v23;
	vm11 =	vlt.f32 v52, v13;
	vm2 =	vlt.f32 v53, v12;
	v50 =	vld.idx.msk [tilespmem:v57+s2+$0x0], $0xffff  }
0x95: {  	v55 =	vor.u32 $0x10, v39;
	v63 =	vor.u32 $0x10, v43;
	vm12 =	vlt.f32 v54, v11;
	v52 =	vld.idx.msk [tilespmem:v58+s2+$0x0], $0xffff  }
0x96: {  	v43 =	vsel vm11, v63, v43;
	v63 =	vor.u32 $0x10, v29;
	v32 =	vmovc v60;
	v60 =	vor.u32 v1, v42;
	v1 =	vld [tilespmem:$0x1FDE0]  }
0x97: {  	v39 =	vsel vm8, v55, v39;
	v29 =	vsel vm12, v63, v29;
	v63 =	vor.u32 $0x10, v37  }
0x98: {  	vm13 =	vlt.f32 v49, v10;
	vm10 =	vlt.f32 v20, v26;
	v20 =	vor.u32 $0x10, v27  }
0x99: {  	v20 =	vsel vm10, v20, v27;
	v27 =	vor.u32 $0x407, v45;
	vm14 =	vlt.f32 v56, v9;
	v57 =	vld.idx.msk [tilespmem:v59+s2+$0x0], $0xffff  }
0x9a: {  	v56 =	vor.u32 $0x10, v17;
	vm15 =	vlt.f32 v50, v8;
	v42 =	vand.u32 $0x60, v19  }
0x9b: {  	v62 =	vld [tilespmem:$0x1FDF0];
	v59 =	vor.u32 $0x10, v48;
	vm4 =	vlt.f32 v52, v7;
	v61 =	vor.u32 v1, v42  }
0x9c: {  	v48 =	vsel vm13, v59, v48;
	v59 =	vand.u32 $0x70, v23;
	v42 =	vand.u32 $0x60, v25  }
0x9d: {  	v54 =	vand.u32 $0x70, v48;
	v51 =	vld.idx.msk [tilespmem:v60+s2+$0x0], $0xffff;
	v60 =	vor.u32 $0x10, v31;
	v18 =	vor.u32 v18, v42  }
0x9e: {  	vm5 =	vlt.f32 v57, v6;
	v57 =	vor.u32 $0x10, v19;
	v1 =	vimm.s32 $0x0  }
0x9f: {  	v31 =	vsel vm14, v60, v31;
	v37 =	vsel vm5, v63, v37;
	v42 =	vmovc v22;
	v22 =	vand.u32 $0x60, v21  }
0xa0: {  	v60 =	vor.u32 $0x807, v45;
	v22 =	vor.u32 v62, v22;
	v62 =	vor.u32 $0x10, v46;
	v58 =	vld.idx.msk [tilespmem:v61+s2+$0x0], $0xffff  }
0xa1: {  	v53 =	vand.u32 $0x70, v31;
	v46 =	vsel vm2, v62, v46;
	v61 =	vor.u32 $0x10, v33  }
0xa2: {  	v62 =	vor.u32 $0x10, v35;
	vm6 =	vlt.f32 v51, v5;
	v18 =	vld.idx.msk [tilespmem:v18+s2+$0x0], $0xffff;
	v33 =	vsel vm15, v61, v33  }
0xa3: {  	v35 =	vsel vm4, v62, v35;
	v17 =	vsel vm6, v56, v17;
	v61 =	vand.u32 $0x70, v43  }
0xa4: {  	v62 =	vor.u32 $0xC07, v45;
	v63 =	vand.u32 $0x70, v46;
	v56 =	vand.u32 $0x70, v37  }
0xa5: {  	v49 =	vor.u32 v62, v61;
	v61 =	vand.u32 $0x70, v33;
	vm7 =	vlt.f32 v58, v4  }
0xa6: {  	v62 =	vor.u32 $0x2007, v45;
	v22 =	vld.idx.msk [tilespmem:v22+s2+$0x0], $0xffff;
	v58 =	vor.u32 $0x7, v45;
	v19 =	vsel vm7, v57, v19  }
0xa7: {  	vm9 =	vlt.f32 v18, v24;
	v18 =	vor.u32 $0x10, v25;
	v57 =	vor.u32 $0x1007, v45  }
0xa8: {  	v18 =	vsel vm9, v18, v25;
	v25 =	vand.u32 $0x70, v41;
	v50 =	vor.u32 v57, v63  }
0xa9: {  	v63 =	vand.u32 $0x70, v35;
	v57 =	vor.u32 $0x2807, v45;
	v25 =	vor.u32 v27, v25  }
0xaa: {  	v27 =	vor.u32 v60, v59;
	v59 =	vor.u32 $0x1407, v45;
	v60 =	vor.u32 $0x1807, v45  }
0xab: {  	vm8 =	vlt.f32 v22, v3;
	v52 =	vor.u32 v60, v54;
	v54 =	vor.u32 $0x1C07, v45  }
0xac: {  	v49 =	vld.idx.msk [tilespmem:v49+s2+$0x0], $0xffff;
	v22 =	vor.u32 $0x10, v21;
	v60 =	vor.u32 $0x2407, v45;
	v53 =	vor.u32 v54, v53  }
0xad: {  	v21 =	vsel vm8, v22, v21;
	v22 =	vand.u32 $0x70, v39;
	v55 =	vor.u32 v60, v63  }
0xae: {  	v56 =	vor.u32 v57, v56;
	v22 =	vor.u32 v58, v22;
	v58 =	vand.u32 $0x70, v29;
	v50 =	vld.idx.msk [tilespmem:v50+s2+$0x0], $0xffff  }
0xaf: {  	v54 =	vor.u32 v62, v61;
	v60 =	vand.u32 $0x70, v19;
	v51 =	vor.u32 v59, v58;
	v25 =	vld.idx.msk [tilespmem:v25+s2+$0x0], $0xffff  }
0xb0: {  	v61 =	vor.u32 $0x3007, v45;
	v62 =	vor.u32 $0x3807, v45;
	v63 =	vor.u32 $0x8, v43;
	v27 =	vld.idx.msk [tilespmem:v27+s2+$0x0], $0xffff  }
0xb1: {  	v58 =	vand.u32 $0x70, v17;
	v59 =	vor.u32 $0x2C07, v45;
	vm14 =	vlt.f32 v49, v13;
	v53 =	vld.idx.msk [tilespmem:v53+s2+$0x0], $0xffff  }
0xb2: {  	v57 =	vor.u32 v59, v58;
	v58 =	vor.u32 v61, v60;
	v59 =	vand.u32 $0x70, v21;
	v55 =	vld.idx.msk [tilespmem:v55+s2+$0x0], $0xffff  }
0xb3: {  	v60 =	vor.u32 $0x3407, v45;
	v61 =	vand.u32 $0x70, v18;
	v43 =	vsel vm14, v63, v43;
	v22 =	vld.idx.msk [tilespmem:v22+s2+$0x0], $0xffff  }
0xb4: {  	v63 =	vor.u32 $0x8, v48;
	v59 =	vor.u32 v60, v59;
	v60 =	vor.u32 v62, v61;
	v51 =	vld.idx.msk [tilespmem:v51+s2+$0x0], $0xffff  }
0xb5: {  	v61 =	vor.u32 $0x3C07, v45;
	v62 =	vor.u32 $0x8, v23;
	vm15 =	vlt.f32 v50, v12;
	v50 =	vld.idx.msk [tilespmem:v56+s2+$0x0], $0xffff  }
0xb6: {  	vm12 =	vlt.f32 v25, v15;
	v25 =	vor.u32 $0x8, v41;
	vm13 =	vlt.f32 v27, v14;
	v27 =	vld.idx.msk [tilespmem:v54+s2+$0x0], $0xffff  }
0xb7: {  	v56 =	vld.idx.msk [tilespmem:v58+s2+$0x0], $0xffff;
	v58 =	vor.u32 $0x8, v35;
	v54 =	vor.u32 $0x8, v17;
	v25 =	vsel vm12, v25, v41  }
0xb8: {  	v23 =	vsel vm13, v62, v23;
	v62 =	vor.u32 $0x8, v29;
	vm6 =	vlt.f32 v53, v9  }
0xb9: {  	v59 =	vld.idx.msk [tilespmem:v59+s2+$0x0], $0xffff;
	vm8 =	vlt.f32 v55, v7;
	vm11 =	vlt.f32 v22, v16;
	v22 =	vor.u32 $0x8, v39  }
0xba: {  	v55 =	vor.u32 $0x8, v19;
	v22 =	vsel vm11, v22, v39;
	v39 =	vld.idx.msk [tilespmem:v52+s2+$0x0], $0xffff;
	v52 =	vand.u32 $0x70, v20  }
0xbb: {  	vm4 =	vlt.f32 v51, v11;
	vm9 =	vlt.f32 v50, v6;
	v41 =	vor.u32 v61, v52  }
0xbc: {  	v61 =	vor.u32 $0x8, v46;
	v52 =	vld.idx.msk [tilespmem:v57+s2+$0x0], $0xffff;
	v29 =	vsel vm4, v62, v29;
	v57 =	vor.u32 $0x8, v31  }
0xbd: {  	vm7 =	vlt.f32 v27, v8;
	v27 =	vor.u32 $0x8, v33;
	v62 =	vor.u32 $0x8, v37  }
0xbe: {  	vm11 =	vlt.f32 v56, v4;
	v56 =	vor.u32 $0x3, v25;
	v46 =	vsel vm15, v61, v46  }
0xbf: {  	v31 =	vsel vm6, v57, v31;
	vm12 =	vlt.f32 v59, v3;
	v59 =	vor.u32 $0x3, v43  }
0xc0: {  	v27 =	vsel vm7, v27, v33;
	v61 =	vld.idx.msk [tilespmem:v60+s2+$0x0], $0xffff;
	v60 =	vor.u32 $0x3, v29;
	vm5 =	vlt.f32 v39, v10  }
0xc1: {  	v33 =	vsel vm8, v58, v35;
	v39 =	vsel vm5, v63, v48;
	v63 =	vor.u32 $0x3, v22  }
0xc2: {  	v37 =	vsel vm9, v62, v37;
	v19 =	vsel vm11, v55, v19;
	v41 =	vld.idx.msk [tilespmem:v41+s2+$0x0], $0xffff;
	v48 =	vor.u32 $0x3, v31  }
0xc3: {  	v57 =	vor.u32 $0x3, v23;
	v58 =	vor.u32 $0x8, v21;
	v62 =	vor.u32 $0x8, v18;
	v49 =	vld.idx.msk [tilespmem:v56+s2+$0x0], $0xffff  }
0xc4: {  	v21 =	vsel vm12, v58, v21;
	v55 =	vor.u32 $0x3, v33;
	vm10 =	vlt.f32 v52, v5;
	v52 =	vld.idx.msk [tilespmem:v59+s2+$0x0], $0xffff  }
0xc5: {  	v58 =	vor.u32 $0x3, v19;
	v17 =	vsel vm10, v54, v17;
	v54 =	vor.u32 $0x3, v27;
	v35 =	vld.idx.msk [tilespmem:v60+s2+$0x0], $0xffff  }
0xc6: {  	v56 =	vor.u32 $0x3, v37;
	vm13 =	vlt.f32 v61, v24;
	v50 =	vld.idx.msk [tilespmem:v63+s2+$0x0], $0xffff;
	v63 =	vor.u32 $0x3, v46  }
0xc7: {  	v61 =	vor.u32 $0x8, v20;
	v51 =	vor.u32 $0x3, v39;
	v59 =	vor.u32 $0x3, v21;
	v48 =	vld.idx.msk [tilespmem:v48+s2+$0x0], $0xffff  }
0xc8: {  	v18 =	vsel vm13, v62, v18;
	v62 =	vor.u32 $0x4, v25;
	vm14 =	vlt.f32 v41, v26;
	v41 =	vld.idx.msk [tilespmem:v57+s2+$0x0], $0xffff  }
0xc9: {  	v60 =	vor.u32 $0x3, v18;
	v57 =	vor.u32 $0x3, v17;
	vm4 =	vlt.f32 v49, v15  }
0xca: {  	v20 =	vsel vm14, v61, v20;
	v25 =	vsel vm4, v62, v25;
	v49 =	vld.idx.msk [tilespmem:v54+s2+$0x0], $0xffff;
	vm6 =	vlt.f32 v52, v13  }
0xcb: {  	v61 =	vor.u32 $0x4, v43;
	v62 =	vor.u32 $0x4, v46;
	vm8 =	vlt.f32 v35, v11;
	v53 =	vld.idx.msk [tilespmem:v63+s2+$0x0], $0xffff  }
0xcc: {  	v52 =	vld.idx.msk [tilespmem:v55+s2+$0x0], $0xffff;
	vm15 =	vlt.f32 v50, v16;
	vm10 =	vlt.f32 v48, v9;
	v48 =	vadd.s32 $0x1, v25  }
0xcd: {  	v50 =	vor.u32 $0x4, v22;
	vm5 =	vlt.f32 v41, v14;
	v63 =	vor.u32 $0x4, v23  }
0xce: {  	v41 =	vsel vm6, v61, v43;
	v61 =	vor.u32 $0x4, v31;
	v22 =	vsel vm15, v50, v22;
	v50 =	vld.idx.msk [tilespmem:v51+s2+$0x0], $0xffff  }
0xcf: {  	v51 =	vor.u32 $0x3, v20;
	v23 =	vsel vm5, v63, v23;
	v63 =	vor.u32 $0x4, v29  }
0xd0: {  	vm11 =	vlt.f32 v49, v8;
	v49 =	vld.idx.msk [tilespmem:v59+s2+$0x0], $0xffff;
	vm7 =	vlt.f32 v53, v12;
	v53 =	vadd.s32 $0x1, v22  }
0xd1: {  	v31 =	vsel vm10, v61, v31;
	vm12 =	vlt.f32 v52, v7;
	v61 =	vor.u32 $0x4, v37;
	v48 =	vld.idx.msk [tilespmem:v48+s2+$0x0], $0xffff  }
0xd2: {  	v29 =	vsel vm8, v63, v29;
	v63 =	vor.u32 $0x4, v33;
	v43 =	vsel vm7, v62, v46;
	v46 =	vld.idx.msk [tilespmem:v56+s2+$0x0], $0xffff  }
0xd3: {  	v54 =	vadd.s32 $0x1, v23;
	vm9 =	vlt.f32 v50, v10;
	v56 =	vor.u32 $0x4, v39;
	v50 =	vld.idx.msk [tilespmem:v58+s2+$0x0], $0xffff  }
0xd4: {  	v33 =	vsel vm12, v63, v33;
	v62 =	vor.u32 $0x4, v27;
	v35 =	vsel vm9, v56, v39;
	v39 =	vld.idx.msk [tilespmem:v57+s2+$0x0], $0xffff  }
0xd5: {  	v52 =	vadd.s32 $0x1, v29;
	v27 =	vsel vm11, v62, v27;
	v62 =	vadd.s32 $0x1, v41;
	v53 =	vld.idx.msk [tilespmem:v53+s2+$0x0], $0xffff  }
0xd6: {  	v51 =	vld.idx.msk [tilespmem:v51+s2+$0x0], $0xffff;
	vm5 =	vlt.f32 v49, v3;
	v49 =	vor.u32 $0x4, v21;
	v63 =	vadd.s32 $0x1, v43  }
0xd7: {  	v56 =	vld.idx.msk [tilespmem:v60+s2+$0x0], $0xffff;
	v60 =	vor.u32 $0x4, v17;
	v21 =	vsel vm5, v49, v21;
	v57 =	vadd.s32 $0x1, v35  }
0xd8: {  	v55 =	vadd.s32 $0x1, v27;
	v58 =	vadd.s32 $0x1, v21;
	vm8 =	vlt.f32 v48, v15  }
0xd9: {  	v48 =	vadd.s32 $0x2, v25;
	vm13 =	vlt.f32 v46, v6;
	vm14 =	vlt.f32 v39, v5;
	v39 =	vld.idx.msk [tilespmem:v54+s2+$0x0], $0xffff  }
0xda: {  	vm15 =	vlt.f32 v50, v4;
	v54 =	vld.idx.msk [tilespmem:v62+s2+$0x0], $0xffff;
	v62 =	vadd.s32 $0x2, v22;
	vm4 =	vlt.f32 v53, v16  }
0xdb: {  	v52 =	vld.idx.msk [tilespmem:v52+s2+$0x0], $0xffff;
	v50 =	vadd.s32 $0x1, v31;
	vm7 =	vlt.f32 v51, v26;
	v22 =	vsel vm4, v62, v22  }
0xdc: {  	v25 =	vsel vm8, v48, v25;
	v37 =	vsel vm13, v61, v37;
	v61 =	vor.u32 $0x4, v19  }
0xdd: {  	v46 =	vld.idx.msk [tilespmem:v63+s2+$0x0], $0xffff;
	vm6 =	vlt.f32 v56, v24;
	v63 =	vor.u32 $0x4, v18;
	v56 =	vadd.s32 $0x1, v33  }
0xde: {  	v17 =	vsel vm14, v60, v17;
	v19 =	vsel vm15, v61, v19;
	v18 =	vsel vm6, v63, v18;
	v49 =	vld.idx.msk [tilespmem:v57+s2+$0x0], $0xffff  }
0xdf: {  	v60 =	vor.u32 $0x4, v20;
	v51 =	vld.idx.msk [tilespmem:v55+s2+$0x0], $0xffff;
	v63 =	vadd.s32 $0x2, v41;
	v53 =	vadd.s32 $0x1, v37  }
0xe0: {  	vm12 =	vlt.f32 v52, v11;
	v57 =	vadd.s32 $0x1, v17;
	v20 =	vsel vm7, v60, v20;
	v60 =	vld.idx.msk [tilespmem:v22+s2+$0x0], $0xffff  }
0xe1: {  	v55 =	vadd.s32 $0x1, v19;
	v59 =	vadd.s32 $0x1, v18;
	v48 =	vadd.s32 $0x1, v20;
	v50 =	vld.idx.msk [tilespmem:v50+s2+$0x0], $0xffff  }
0xe2: {  	v56 =	vld.idx.msk [tilespmem:v56+s2+$0x0], $0xffff;
	vm9 =	vlt.f32 v39, v14;
	vm10 =	vlt.f32 v54, v13;
	vm11 =	vlt.f32 v46, v12  }
0xe3: {  	v54 =	vld.idx.msk [tilespmem:v58+s2+$0x0], $0xffff;
	v58 =	vadd.s32 $0x2, v31;
	v41 =	vsel vm10, v63, v41;
	v63 =	vadd.s32 $0x2, v43  }
0xe4: {  	vm14 =	vlt.f32 v49, v10;
	v43 =	vsel vm11, v63, v43;
	v39 =	vld.idx.msk [tilespmem:v53+s2+$0x0], $0xffff;
	v53 =	vadd.s32 $0x2, v23  }
0xe5: {  	v53 =	vsel vm9, v53, v23;
	v23 =	vld.idx.msk [tilespmem:v57+s2+$0x0], $0xffff;
	v57 =	vadd.s32 $0x2, v29;
	vm13 =	vlt.f32 v60, v16  }
0xe6: {  	vm4 =	vlt.f32 v51, v8;
	v46 =	vld.idx.msk [tilespmem:v55+s2+$0x0], $0xffff;
	v52 =	vsel vm12, v57, v29;
	v57 =	vsel vm13, $0x1, v1  }
0xe7: {  	v63 =	vld.idx.msk [tilespmem:v59+s2+$0x0], $0xffff;
	vm15 =	vlt.f32 v50, v9;
	v29 =	vadd.s32 $0x2, v35;
	v22 =	vadd.s32 v57, v22  }
0xe8: {  	v48 =	vld.idx.msk [tilespmem:v48+s2+$0x0], $0xffff;
	v49 =	vsel vm15, v58, v31;
	vm6 =	vlt.f32 v56, v7;
	v22 =	vadd.s32 $0xFFFFFFFF, v22  }
0xe9: {  	v31 =	vld.idx.msk [tilespmem:v25+s2+$0x0], $0xffff;
	v35 =	vsel vm14, v29, v35;
	v29 =	vadd.s32 $0x2, v27;
	vm5 =	vgt.s32 v22, v0  }
0xea: {  	v51 =	vsel vm4, v29, v27;
	v27 =	vor.u32 $0x3E, v0;
	v56 =	vld.idx.msk [tilespmem:v43+s2+$0x0], $0xffff;
	v22 =	vsel vm5, v22, v0  }
0xeb: {  	vm10 =	vlt.f32 v54, v3;
	v50 =	vld.idx.msk [tilespmem:v53+s2+$0x0], $0xffff;
	v22 =	vmin.u32 v22, v27  }
0xec: {  	v29 =	vadd.s32 $0x2, v33;
	vm9 =	vlt.f32 v46, v4;
	vm7 =	vlt.f32 v39, v6;
	v39 =	vld.idx.msk [tilespmem:v52+s2+$0x0], $0xffff  }
0xed: {  	vm11 =	vlt.f32 v63, v24;
	v33 =	vsel vm6, v29, v33;
	vm8 =	vlt.f32 v23, v5;
	v46 =	vld.idx.msk [tilespmem:v49+s2+$0x0], $0xffff  }
0xee: {  	v23 =	vadd.s32 $0x2, v17;
	vm12 =	vlt.f32 v31, v15;
	v57 =	vld.idx.msk [tilespmem:v41+s2+$0x0], $0xffff;
	v27 =	vadd.s32 $0x2, v37  }
0xef: {  	v54 =	vld.idx.msk [tilespmem:v51+s2+$0x0], $0xffff;
	v29 =	vsel vm7, v27, v37;
	v27 =	vsel vm8, v23, v17;
	v17 =	vadd.s32 $0x2, v19  }
0xf0: {  	v1 =	vimm.s32 $0x0;
	v23 =	vsel vm9, v17, v19;
	v17 =	vadd.s32 $0x2, v21;
	v31 =	vld.idx.msk [tilespmem:v22+s11+$0x0], $0xffff  }
0xf1: {  	v37 =	vld.idx.msk [tilespmem:v35+s2+$0x0], $0xffff;
	v19 =	vadd.s32 $0x2, v18;
	v21 =	vsel vm10, v17, v21;
	v17 =	vsel vm12, $0x1, v1  }
0xf2: {  	v19 =	vsel vm11, v19, v18;
	v25 =	vadd.s32 v17, v25;
	v22 =	vld.idx.msk [tilespmem:v22+s12+$0x0], $0xffff  }
0xf3: {  	v59 =	vadd.s32 $0x2, v20;
	vm13 =	vlt.f32 v48, v26;
	v18 =	vld.idx.msk [tilespmem:v33+s2+$0x0], $0xffff;
	v25 =	vadd.s32 $0xFFFFFFFF, v25  }
0xf4: {  	v63 =	vor.u32 $0x43E, v0;
	v17 =	vsel vm13, v59, v20;
	v20 =	vld.idx.msk [tilespmem:v29+s2+$0x0], $0xffff;
	v25 =	vmax.u32 v25, v34  }
0xf5: {  	v48 =	vld.idx.msk [tilespmem:v27+s2+$0x0], $0xffff;
	v55 =	vmin.u32 v25, v63;
	v16 =	vmul.f32 v31, v16  }
0xf6: {  	v58 =	vld.idx.msk [tilespmem:v23+s2+$0x0], $0xffff  }
0xf7: {  	v25 =	vld.idx.msk [tilespmem:v19+s2+$0x0], $0xffff;
	v22 =	vadd.f32 v22, v16  }
0xf8: {  	v31 =	vld.idx.msk [tilespmem:v21+s2+$0x0], $0xffff  }
0xf9: {  	v16 =	vld.idx.msk [tilespmem:v17+s2+$0x0], $0xffff;
	[tilespmem:s19+$0x10000] =	vst v22  }
0xfa: {  	vm14 =	vlt.f32 v50, v14;
	v1 =	vimm.s32 $0x0;
	v22 =	vld.idx.msk [tilespmem:v55+s11+$0x0], $0xffff  }
0xfb: {  	v50 =	vsel vm14, $0x1, v1  }
0xfc: {  	v50 =	vadd.s32 v50, v53;
	v55 =	vld.idx.msk [tilespmem:v55+s12+$0x0], $0xffff  }
0xfd: {  	v50 =	vadd.s32 $0xFFFFFFFF, v50  }
0xfe: {  	v34 =	vor.u32 $0x83E, v0;
	v50 =	vmax.u32 v50, v32  }
0xff: {  	v15 =	vmul.f32 v22, v15;
	v22 =	vmin.u32 v50, v34;
	_ =	sdelay $0x1  }
0x100: {  	v15 =	vadd.f32 v55, v15;
	_ =	sdelay $0x1  }
0x101: {  	[tilespmem:s19+$0x10010] =	vst v15  }
0x102: {  	vm15 =	vlt.f32 v57, v13;
	v1 =	vimm.s32 $0x0;
	v15 =	vld.idx.msk [tilespmem:v22+s11+$0x0], $0xffff  }
0x103: {  	v57 =	vmov v36;
	v36 =	vsel vm15, $0x1, v1  }
0x104: {  	v41 =	vadd.s32 v36, v41;
	v22 =	vld.idx.msk [tilespmem:v22+s12+$0x0], $0xffff  }
0x105: {  	v41 =	vadd.s32 $0xFFFFFFFF, v41  }
0x106: {  	v53 =	vmov v40;
	v41 =	vmax.u32 v41, v40;
	v40 =	vor.u32 $0xC3E, v0  }
0x107: {  	v41 =	vmin.u32 v41, v40;
	v14 =	vmul.f32 v15, v14;
	_ =	sdelay $0x1  }
0x108: {  	v14 =	vadd.f32 v22, v14;
	_ =	sdelay $0x1  }
0x109: {  	[tilespmem:s19+$0x10020] =	vst v14  }
0x10a: {  	vm4 =	vlt.f32 v56, v12;
	v1 =	vimm.s32 $0x0;
	v14 =	vld.idx.msk [tilespmem:v41+s11+$0x0], $0xffff  }
0x10b: {  	v22 =	vsel vm4, $0x1, v1  }
0x10c: {  	v22 =	vadd.s32 v22, v43;
	v15 =	vld.idx.msk [tilespmem:v41+s12+$0x0], $0xffff  }
0x10d: {  	v22 =	vadd.s32 $0xFFFFFFFF, v22  }
0x10e: {  	v63 =	vor.u32 $0x103E, v0;
	v22 =	vmax.u32 v22, v47  }
0x10f: {  	v60 =	vmov v32;
	v32 =	vmin.u32 v22, v63;
	v13 =	vmul.f32 v14, v13;
	_ =	sdelay $0x1  }
0x110: {  	v13 =	vadd.f32 v15, v13;
	_ =	sdelay $0x1  }
0x111: {  	v40 =	vld [tilespmem:$0x1FFC0];
	[tilespmem:s19+$0x10030] =	vst v13  }
0x112: {  	vm5 =	vlt.f32 v39, v11;
	v1 =	vimm.s32 $0x0;
	v13 =	vld.idx.msk [tilespmem:v32+s11+$0x0], $0xffff  }
0x113: {  	v34 =	vsel vm5, $0x1, v1  }
0x114: {  	v15 =	vadd.s32 v34, v52;
	v14 =	vld.idx.msk [tilespmem:v32+s12+$0x0], $0xffff  }
0x115: {  	v15 =	vadd.s32 $0xFFFFFFFF, v15  }
0x116: {  	v22 =	vor.u32 $0x143E, v0;
	v15 =	vmax.u32 v15, v40  }
0x117: {  	v36 =	vmin.u32 v15, v22;
	v12 =	vmul.f32 v13, v12;
	_ =	sdelay $0x1  }
0x118: {  	v12 =	vadd.f32 v14, v12;
	_ =	sdelay $0x1  }
0x119: {  	v52 =	vld [tilespmem:$0x1FFD0];
	[tilespmem:s19+$0x10040] =	vst v12  }
0x11a: {  	vm6 =	vlt.f32 v37, v10;
	v1 =	vimm.s32 $0x0;
	v12 =	vld.idx.msk [tilespmem:v36+s11+$0x0], $0xffff  }
0x11b: {  	v37 =	vsel vm6, $0x1, v1  }
0x11c: {  	v14 =	vadd.s32 v37, v35;
	v13 =	vld.idx.msk [tilespmem:v36+s12+$0x0], $0xffff  }
0x11d: {  	v14 =	vadd.s32 $0xFFFFFFFF, v14  }
0x11e: {  	v39 =	vor.u32 $0x183E, v0;
	v14 =	vmax.u32 v14, v52  }
0x11f: {  	v22 =	vmov v42;
	v42 =	vmin.u32 v14, v39;
	v11 =	vmul.f32 v12, v11;
	_ =	sdelay $0x1  }
0x120: {  	v11 =	vadd.f32 v13, v11;
	_ =	sdelay $0x1  }
0x121: {  	[tilespmem:s19+$0x10050] =	vst v11  }
0x122: {  	vm7 =	vlt.f32 v46, v9;
	v1 =	vimm.s32 $0x0;
	v11 =	vld.idx.msk [tilespmem:v42+s11+$0x0], $0xffff  }
0x123: {  	v56 =	vmov v44;
	v44 =	vsel vm7, $0x1, v1  }
0x124: {  	v13 =	vadd.s32 v44, v49;
	v12 =	vld.idx.msk [tilespmem:v42+s12+$0x0], $0xffff  }
0x125: {  	v13 =	vadd.s32 $0xFFFFFFFF, v13  }
0x126: {  	v46 =	vor.u32 $0x1C3E, v0;
	v13 =	vmax.u32 v13, v38  }
0x127: {  	v50 =	vmov v47;
	v47 =	vmin.u32 v13, v46;
	v10 =	vmul.f32 v11, v10;
	_ =	sdelay $0x1  }
0x128: {  	v10 =	vadd.f32 v12, v10;
	_ =	sdelay $0x1  }
0x129: {  	vm8 =	vlt.f32 v54, v8;
	v54 =	vld [tilespmem:$0x1FF30];
	[tilespmem:s19+$0x10060] =	vst v10  }
0x12a: {  	v1 =	vimm.s32 $0x0;
	v10 =	vld.idx.msk [tilespmem:v47+s11+$0x0], $0xffff  }
0x12b: {  	v59 =	vsel vm8, $0x1, v1  }
0x12c: {  	v12 =	vadd.s32 v59, v51;
	v11 =	vld.idx.msk [tilespmem:v47+s12+$0x0], $0xffff  }
0x12d: {  	v12 =	vadd.s32 $0xFFFFFFFF, v12  }
0x12e: {  	v63 =	vor.u32 $0x203E, v0;
	v12 =	vmax.u32 v12, v54  }
0x12f: {  	v14 =	vmin.u32 v12, v63;
	v9 =	vmul.f32 v10, v9;
	_ =	sdelay $0x1  }
0x130: {  	v9 =	vadd.f32 v11, v9;
	_ =	sdelay $0x1  }
0x131: {  	[tilespmem:s19+$0x10070] =	vst v9  }
0x132: {  	vm9 =	vlt.f32 v18, v7;
	v1 =	vimm.s32 $0x0;
	v9 =	vld.idx.msk [tilespmem:v14+s11+$0x0], $0xffff  }
0x133: {  	v15 =	vsel vm9, $0x1, v1  }
0x134: {  	v11 =	vadd.s32 v15, v33;
	v10 =	vld.idx.msk [tilespmem:v14+s12+$0x0], $0xffff  }
0x135: {  	v11 =	vadd.s32 $0xFFFFFFFF, v11  }
0x136: {  	v59 =	vor.u32 $0x243E, v0;
	v11 =	vmax.u32 v11, v57  }
0x137: {  	v33 =	vmin.u32 v11, v59;
	v8 =	vmul.f32 v9, v8;
	_ =	sdelay $0x1  }
0x138: {  	v8 =	vadd.f32 v10, v8;
	_ =	sdelay $0x1  }
0x139: {  	v2 =	vmov v3;
	v3 =	vld [tilespmem:$0x1FFF0];
	[tilespmem:s19+$0x10080] =	vst v8  }
0x13a: {  	vm10 =	vlt.f32 v20, v6;
	v1 =	vimm.s32 $0x0;
	v8 =	vld.idx.msk [tilespmem:v33+s11+$0x0], $0xffff  }
0x13b: {  	v12 =	vsel vm10, $0x1, v1  }
0x13c: {  	v10 =	vadd.s32 v12, v29;
	v9 =	vld.idx.msk [tilespmem:v33+s12+$0x0], $0xffff  }
0x13d: {  	v10 =	vadd.s32 $0xFFFFFFFF, v10  }
0x13e: {  	v13 =	vor.u32 $0x283E, v0;
	v10 =	vmax.u32 v10, v3  }
0x13f: {  	v14 =	vmin.u32 v10, v13;
	v7 =	vmul.f32 v8, v7;
	_ =	sdelay $0x1  }
0x140: {  	v7 =	vadd.f32 v9, v7;
	_ =	sdelay $0x1  }
0x141: {  	v18 =	vmov v3;
	v3 =	vld [tilespmem:$0x1FFE0];
	[tilespmem:s19+$0x10090] =	vst v7  }
0x142: {  	vm11 =	vlt.f32 v48, v5;
	v7 =	vld.idx.msk [tilespmem:v14+s11+$0x0], $0xffff  }
0x143: {  	v15 =	vsel vm11, $0x1, v1  }
0x144: {  	v9 =	vadd.s32 v15, v27;
	v8 =	vld.idx.msk [tilespmem:v14+s12+$0x0], $0xffff  }
0x145: {  	v9 =	vadd.s32 $0xFFFFFFFF, v9  }
0x146: {  	v33 =	vor.u32 $0x2C3E, v0;
	v9 =	vmax.u32 v9, v3  }
0x147: {  	v12 =	vmin.u32 v9, v33;
	v6 =	vmul.f32 v7, v6;
	_ =	sdelay $0x1  }
0x148: {  	v6 =	vadd.f32 v8, v6;
	_ =	sdelay $0x1  }
0x149: {  	v13 =	vld [tilespmem:$0x1FF80];
	[tilespmem:s19+$0x100A0] =	vst v6  }
0x14a: {  	vm12 =	vlt.f32 v58, v4;
	v6 =	vld.idx.msk [tilespmem:v12+s11+$0x0], $0xffff  }
0x14b: {  	v14 =	vsel vm12, $0x1, v1  }
0x14c: {  	v8 =	vadd.s32 v14, v23;
	v7 =	vld.idx.msk [tilespmem:v12+s12+$0x0], $0xffff  }
0x14d: {  	v8 =	vadd.s32 $0xFFFFFFFF, v8  }
0x14e: {  	v15 =	vor.u32 $0x303E, v0;
	v8 =	vmax.u32 v8, v13  }
0x14f: {  	v33 =	vmin.u32 v8, v15;
	v5 =	vmul.f32 v6, v5;
	_ =	sdelay $0x1  }
0x150: {  	v5 =	vadd.f32 v7, v5;
	_ =	sdelay $0x1  }
0x151: {  	v12 =	vld [tilespmem:$0x1FF90];
	[tilespmem:s19+$0x100B0] =	vst v5  }
0x152: {  	vm13 =	vlt.f32 v31, v2;
	v5 =	vld.idx.msk [tilespmem:v33+s11+$0x0], $0xffff  }
0x153: {  	v13 =	vsel vm13, $0x1, v1  }
0x154: {  	v7 =	vadd.s32 v13, v21;
	v6 =	vld.idx.msk [tilespmem:v33+s12+$0x0], $0xffff  }
0x155: {  	v7 =	vadd.s32 $0xFFFFFFFF, v7  }
0x156: {  	v14 =	vor.u32 $0x343E, v0;
	v7 =	vmax.u32 v7, v12  }
0x157: {  	v15 =	vmin.u32 v7, v14;
	v4 =	vmul.f32 v5, v4;
	_ =	sdelay $0x1  }
0x158: {  	v4 =	vadd.f32 v6, v4;
	_ =	sdelay $0x1  }
0x159: {  	v61 =	vmov v24;
	v33 =	vld [tilespmem:$0x1FFA0];
	[tilespmem:s19+$0x100C0] =	vst v4  }
0x15a: {  	vm14 =	vlt.f32 v25, v61;
	v4 =	vld.idx.msk [tilespmem:v15+s11+$0x0], $0xffff  }
0x15b: {  	v12 =	vsel vm14, $0x1, v1  }
0x15c: {  	v6 =	vadd.s32 v12, v19;
	v5 =	vld.idx.msk [tilespmem:v15+s12+$0x0], $0xffff  }
0x15d: {  	v24 =	vmov v30;
	v30 =	vld [tilespmem:$0x1FE50];
	v6 =	vadd.s32 $0xFFFFFFFF, v6  }
0x15e: {  	v62 =	vmov v26;
	v26 =	vld [tilespmem:$0x1FF50];
	v13 =	vor.u32 $0x383E, v0;
	v6 =	vmax.u32 v6, v33  }
0x15f: {  	v48 =	vld [tilespmem:$0x1FE30];
	v20 =	vmov v3;
	v14 =	vmin.u32 v6, v13;
	v3 =	vmul.f32 v4, v2  }
0x160: {  	v58 =	vld [tilespmem:$0x1FF60]  }
0x161: {  	v43 =	vld [tilespmem:$0x1FE80];
	v3 =	vadd.f32 v5, v3  }
0x162: {  	v41 =	vmov v28;
	v28 =	vld [tilespmem:$0x1FE20]  }
0x163: {  	v11 =	vld [tilespmem:$0x1FFB0];
	[tilespmem:s19+$0x100D0] =	vst v3  }
0x164: {  	vm15 =	vlt.f32 v16, v62;
	v3 =	vld.idx.msk [tilespmem:v14+s11+$0x0], $0xffff  }
0x165: {  	v34 =	vld [tilespmem:$0x1FE70];
	v15 =	vsel vm15, $0x1, v1  }
0x166: {  	v5 =	vadd.s32 v15, v17;
	v4 =	vld.idx.msk [tilespmem:v14+s12+$0x0], $0xffff  }
0x167: {  	v32 =	vld [tilespmem:$0x1FE60];
	v5 =	vadd.s32 $0xFFFFFFFF, v5  }
0x168: {  	v37 =	vld [tilespmem:$0x1FEB0];
	v33 =	vor.u32 $0x3C3E, v0;
	v5 =	vmax.u32 v5, v11  }
0x169: {  	v35 =	vld [tilespmem:$0x1FE90];
	v2 =	vmul.f32 v3, v61;
	v3 =	vmin.u32 v5, v33  }
0x16a: {  	v39 =	vld [tilespmem:$0x1FEC0]  }
0x16b: {  	v36 =	vld [tilespmem:$0x1FEA0];
	v2 =	vadd.f32 v4, v2  }
0x16c: {  	v49 =	vld [tilespmem:$0x1FEE0]  }
0x16d: {  	v44 =	vld [tilespmem:$0x1FEF0];
	[tilespmem:s19+$0x100E0] =	vst v2  }
0x16e: {  	v2 =	vld.idx.msk [tilespmem:v3+s11+$0x0], $0xffff  }
0x16f: {  	v55 =	vmov v38;
	v38 =	vld [tilespmem:$0x1FF40]  }
0x170: {  	v3 =	vld.idx.msk [tilespmem:v3+s12+$0x0], $0xffff  }
0x171: {  	v42 =	vld [tilespmem:$0x1FED0]  }
0x172: {  	p0 =	sne.s32 s18, $0xFC00;
	v46 =	vld [tilespmem:$0x1FF10]  }
.Ltmp0:
0x173: {  	v51 =	vld [tilespmem:$0x1FF00];
	v1 =	vmul.f32 v2, v62;
	(pc) =	sbr.rel @p0 .LBB2_3-.Ltmp0, $4  }
0x174: {  	v47 =	vld [tilespmem:$0x1FF20]  }
0x175: {  	v63 =	vld [tilespmem:$0x1FE00];
	v1 =	vadd.f32 v3, v1  }
0x176: {  	v59 =	vld [tilespmem:$0x1FE10]  }
0x177: {  	s18 =	sadd.s32 $0x400, s18;
	v2 =	vld [tilespmem:$0x1FF70];
	[tilespmem:s19+$0x100F0] =	vst v1  }
0x178: {  	s16 =	sadd.s32 $0x1, s16  }
0x179: {  	p0 =	sne.s32 s16, $0x20  }
.Ltmp1:
0x17a: {  	s17 =	sadd.s32 s7, s17;
	(pc) =	sbr.rel @p0 .LBB2_2-.Ltmp1, $4  }
0x17b: {  	[hbm4b:s17+s2] =	stream.linear.scatter [tilespmem:s14], [sflag:$0x1], $0x4000, $0x38;
	[tilespmem:$0x14000] =	vst v63  }
0x17c: {  	_ =	swait.ge [sflag:s10], $0x4000  }
0x17d: {  	[sflag:s10] =	ssyncset.done $0x0  }
0x17e: {  	[sflag:s10] =	ssyncadd.s32 $0xFFFFC000  }
0x17f: {  	s15 =	sadd.s32 $0x1, s15  }
0x180: {  	p0 =	sne.s32 s15, s9  }
.Ltmp2:
0x181: {  	_ = 	snop;
	(pc) =	sbr.rel @p0 .LBB2_1-.Ltmp2, $1  }
0x182: {  	_ =	sdelay $0x3  }
0x183: {  	_ =	sfence.sel $0x180000  }
0x184: {  	[bflag:$0x0] =	sbarrier.arrive $0xFFFF  }
0x185: {  	p0 =	sne.s32 s5, $0x0;
	_ =	strace $0x9000004A  }
0x186: {  	s0 =	sadd.s32 @!p0 $0x100000, s1;
	[bflag:$0x2] =	sbarrier.arrive $0xFFFF  }
0x187: {  	[sflag:s0] =	ssyncadd.tile.s32 @!p0 $0x1;
	_ =	shalt  }
.Lfunc_end2:
_tile_overlayer_lowered:
.L_overlay_start_2:
0x188: {  	(tag) =	ssettag $0x2  }
0x189: {  	s0 =	rddreg [dreg:$0x0];
	s2 =	stileid.u32  }
0x18a: {  	s1 =	rddreg [dreg:$0x1];
	p0 =	sne.s32 s2, $0x0  }
0x18b: {  	s3 =	rddreg [dreg:$0x2];
	[bflag:$0x3] =	sbarrier.arrive $0xFFFF;
	s2 =	simm.s32 @!p0 $0x1C01  }
0x18c: {  	[timem:s3], [sflag:s2] =	dma.local @!p0 [hbm:s0], s1  }
0x18d: {  	s0 =	simm.s32 @!p0 $0x1  }
0x18e: {  	_ =	swait.ge @!p0 [sflag:s0], s1  }
0x18f: {  	s1 =	ssub.s32 @!p0 $0x0, s1;
	[sflag:s0] =	ssyncset.done @!p0 $0x0  }
0x190: {  	[sflag:s0] =	ssyncadd.s32 @!p0 s1  }
0x191: {  	[bflag:$0x3] =	sbarrier.arrive $0xFFFF  }
0x192: {  	_ =	shalt  }

// kernel: sparse-core-data-format-call.cloned.1.call-start
scs
called_computation_lowered:
.L_overlay_start_0:
0x0: {  	s2 =	sld [smem:$0x3FD9]  }
0x1: {  	s3 =	sld [smem:$0x3FFE];
	_ =	sdelay $0x1  }
0x2: {  	s1 =	srdreg.scid  }
0x3: {  	s0 =	sand.u32 $0x1, s1  }
0x4: {  	s19 =	sshll.u32 s0, $0xA;
	s2 =	sadd.s32 s3, s2  }
0x5: {  	s2 =	sadd.s32 s2, s19  }
0x6: {  	[smem:$0x3FC3] =	sst s2  }
0x7: {  	_ = 	snop  }
0x8: {  	s2 =	sld [smem:$0x3FC9]  }
0x9: {  	s20 =	sld [smem:$0x3FD0];
	(tm) =	ssettm $0x1  }
0xa: {  	s4 =	sld [smem:$0x3FFB];
	_ =	sdelay $0x3  }
0xb: {  	_ =	strace s4  }
0xc: {  	s4 =	sld [smem:$0x3FFC];
	_ =	sdelay $0x3  }
0xd: {  	_ =	strace s4  }
0xe: {  	s4 =	sld [smem:$0x3FFD];
	_ =	sdelay $0x3  }
0xf: {  	_ =	strace s4  }
0x10: {  	_ =	strace $0x8FFFFFFF  }
0x11: {  	s21 =	sld [smem:$0x3FDB];
	_ =	sdelay $0x1  }
0x12: {  	s5 =	simm.s32 $_scs_section_size  }
0x13: {  	s6 =	simm.s32 $_size__tile_overlayer_lowered;
	s7 =	simm.s32 $_tile_overlayer_lowered  }
0x14: {  	s24 =	simm.s32 $0x1BFF;
	s23 =	sshll.u32 s7, $0x1;
	s4 =	sadd.s32 s5, s21  }
0x15: {  	s8 =	simm.s32 $0x0;
	s22 =	sshll.u32 s6, $0x1;
	s6 =	sadd.s32 s23, s4  }
0x16: {  	[timem:s8], [sflag:s24] =	dma.local [hbm:s6], s22  }
0x17: {  	_ =	swait.ge [sflag:s24], s22  }
0x18: {  	s5 =	ssub.s32 $0x0, s22;
	[sflag:s24] =	ssyncset.done $0x0  }
0x19: {  	[sflag:s24] =	ssyncadd.s32 s5;
	_ =	sdelay $0x1  }
0x1a: {  	s25 =	simm.s32 $0x1B8B  }
0x1b: {  	_ =	swait.ge [sflag:s25], $0x1  }
0x1c: {  	[sflag:s25] =	ssyncset.done $0x0  }
0x1d: {  	s26 =	simm.s32 $0x1B8E;
	[sflag:s25] =	ssyncadd.s32 $0xFFFFFFFF  }
0x1e: {  	s27 =	simm.s32 $execute0_lowered;
	[smem:$0x3FD2] =	sst s26  }
0x1f: {  	s5 =	sshll.u32 s27, $0x1;
	_ =	strace $0x80000046;
	[dreg:$0x1] =	wrdreg $0xFFFFFFFF  }
0x20: {  	s28 =	simm.s32 $_size_execute0_lowered;
	s4 =	sadd.s32 s4, s5;
	[dreg:$0x0] =	wrdreg $0x0  }
0x21: {  	s5 =	sshll.u32 s28, $0x1;
	[dreg:$0x2] =	wrdreg s4  }
0x22: {  	[dreg:$0x3] =	wrdreg s5  }
0x23: {  	[dreg:$0x4] =	wrdreg $0xC0  }
0x24: {  	_ =	task [dreg:s8], $0x5FFFF  }
0x25: {  	[dreg:$0x1] =	wrdreg $0xFFFFFFFF  }
0x26: {  	[dreg:$0x0] =	wrdreg $0x60  }
0x27: {  	[dreg:$0x2] =	wrdreg s2  }
0x28: {  	[dreg:$0x3] =	wrdreg s20  }
0x29: {  	[dreg:$0x4] =	wrdreg $0x9  }
0x2a: {  	_ =	task.clear_ibuf [dreg:s8], $0x5FFFF;
	_ =	strace $0x90000046  }
0x2b: {  	s29 =	simm.s32 $0x9;
	_ =	strace $0x80000048  }
0x2c: {  	_ =	swait.ge [sflag:s29], $0x1  }
0x2d: {  	[sflag:s29] =	ssyncadd.s32 $0xFFFFFFFF  }
0x2e: {  	_ =	strace $0x90000048  }
0x2f: {  	_ =	sfence  }
0x30: {  	s30 =	sld [smem:$0x0];
	_ =	sdelay $0x2  }
0x31: {  	s31 =	sshll.u32 s1, $0xD;
	s1 =	sshrl.u32 s1, $0x2  }
0x32: {  	s3 =	sand.u32 $0x4000, s31;
	s1 =	sadd.s32 s1, s30  }
0x33: {  	s0 =	sor.u32 s3, s0;
	s1 =	sshll.u32 s1, $0x11  }
0x34: {  	s0 =	sor.u32 s1, s0  }
0x35: {  	s0 =	sadd.s32 $0x8F2B, s0  }
0x36: {  	[sflag:s0] =	ssyncadd.remote.s32 $0x1  }
0x37: {  	_ =	sfence.sel $0xFFFF  }
0x38: {  	[dreg:$0x0] =	wrdreg $0xFFFFFFFF;
	(pc) =	sbr.abs _section_cstart, $3  }
0x39: {  	[dreg:$0x1] =	wrdreg $0xFFFFFFFF  }
0x3a: {  	_ =	task.clear_ibuf [dreg:s8], $0x2FFFF;
	_ =	strace $0x9FFFFFFF  }
0x3b: {  	(tm) =	ssettm $0x7FFFFFFF  }
tec
execute0_lowered:
.L_overlay_start_1:
0x0: {  	(tag) =	ssettag $0x1  }
0x1: {  	s0 =	srdreg.scid  }
0x2: {  	s1 =	sshll.u32 s0, $0x4  }
0x3: {  	s2 =	rddreg [dreg:$0x0];
	s0 =	stileid.u32;
	s1 =	sand.u32 $0x10, s1  }
0x4: {  	s4 =	rddreg [dreg:$0x1];
	s1 =	sor.u32 s0, s1  }
0x5: {  	s7 =	simm.s32 $0x1;
	s8 =	simm.s32 $0x2;
	s3 =	sshll.u32 s1, $0x3  }
0x6: {  	s9 =	simm.s32 $0x0;
	s12 =	simm.s32 $0x0;
	s6 =	ssub.s32 $0x2000, s3  }
.Ltmp0:
0x7: {  	s11 =	simm.s32 $0x0;
	s5 =	sand.u32 $0xF8, s6;
	(pc) =	sbr.rel .LBB1_1-.Ltmp0, $4  }
0x8: {  	s1 =	rddreg [dreg:$0x2];
	_ =	strace $0x80000047;
	p0 =	sne.s32 s5, $0x0  }
0x9: {  	s6 =	sshrl.u32 s6, $0x8;
	s5 =	simm.s32 $0x1;
	s7 =	simm.s32 @!p0 $0x0  }
0xa: {  	s10 =	smov.u32 s3;
	[sflag:s5] =	ssyncpa.u1 $0x0;
	s6 =	sadd.s32 s7, s6  }
0xb: {  	[sflag:s8] =	ssyncpa.u1 $0x0;
	s8 =	simm.s32 $0x0;
	s7 =	sadd.s32 $0x1, s6  }
.LBB1_9:
0xc: {  	s14 =	sadd.s32 $0x100, s10  }
0xd: {  	p1 =	sgt.s32 s14, $0x1FFF  }
0xe: {  	s14 =	smov.u32 @p1 s3;
	p1 =	sne.s32 s11, s7  }
.Ltmp1:
0xf: {  	p0 =	slt.u32 s11, $0x2;
	(pc) =	sbr.rel @!p1 .LBB1_10-.Ltmp1, $4  }
0x10: {  	s13 =	simm.s32 @!p0 $0x2  }
0x11: {  	s15 =	sadd.s32 $0x1, s11;
	_ =	swait.ge @!p0 [sflag:s13], $0x4000  }
0x12: {  	s12 =	smov.u32 s10;
	s9 =	sadd.s32 $0x4000, s9;
	[sflag:s13] =	ssyncset.done @!p0 $0x0  }
0x13: {  	s11 =	smov.u32 s15;
	s10 =	smov.u32 s14;
	[sflag:s13] =	ssyncadd.s32 @!p0 $0xFFFFC000  }
.LBB1_1:
0x14: {  	p0 =	sge.u32 s11, s6  }
0x15: {  	s13 =	sxor.u32 @!p0 $0xFFFFFFFF, s11  }
0x16: {  	s31 =	sadd.s32 $0xFFFFFFFF, s11;
	s14 =	sshll.u32 @!p0 s10, $0x8;
	s13 =	sshll.u32 @!p0 s13, $0xE  }
0x17: {  	s15 =	simm.s32 @!p0 $0x0;
	s14 =	sadd.s32 @!p0 s2, s14;
	s13 =	sand.u32 @!p0 $0x4000, s13  }
0x18: {  	[tilespmem:s13], [sflag:$0x1] =	stream.linear.gather @!p0 [hbm4b:s14+s15], $0x4000, $0x38;
	[tilespmem:$0x10000] =	vst v63  }
0x19: {  	p0 =	sge.u32 s31, s6  }
.Ltmp2:
0x1a: {  	_ = 	snop;
	(pc) =	sbr.rel @p0 .LBB1_9-.Ltmp2, $1  }
0x1b: {  	_ =	sdelay $0x3  }
0x1c: {  	s13 =	sshll.u32 s9, $0x2;
	_ =	swait.ge [sflag:s5], $0x4000;
	s14 =	sshll.u32 s11, $0xE  }
0x1d: {  	s16 =	simm.s32 $0x0;
	s17 =	simm.s32 $0x0;
	s15 =	sand.u32 $0x10000, s13  }
0x1e: {  	[sflag:s5] =	ssyncset.done $0x0;
	s31 =	sand.u32 $0x4000, s14;
	s14 =	sshrl.u32 s15, $0x2  }
0x1f: {  	[sflag:s5] =	ssyncadd.s32 $0xFFFFC000;
	s13 =	sor.u32 $0x8000, s31;
	s15 =	sor.u32 $0x8000, s14  }
.LBB1_3:
0x20: {  	s18 =	sshra.s32 s16, $0x2  }
0x21: {  	v0 =	vmov s18;
	_ =	sdelay $0x3  }
0x22: {  	p1 =	por $0x1, $0x1;
	s18 =	simm.s32 $0x0  }
.LBB1_4:
0x23: {  	_ = 	snop  }
0x24: {  	s19 =	sshll.u32 s18, $0xA  }
0x25: {  	s19 =	sand.u32 $0x3FFFFC00, s19  }
0x26: {  	s19 =	sadd.s32 s19, s14  }
0x27: {  	v5 =	vld.idx.msk [tilespmem:v0+s19+$0x70 ss:$0x1], $0xffff  }
0x28: {  	v6 =	vld.idx.msk [tilespmem:v0+s19+$0x10 ss:$0x1], $0xffff  }
0x29: {  	v7 =	vld.idx.msk [tilespmem:v0+s19+$0x20 ss:$0x1], $0xffff  }
0x2a: {  	s31 =	sshll.u32 s18, $0x7;
	v1 =	vld.idx.msk [tilespmem:v0+s19+$0x30 ss:$0x1], $0xffff  }
0x2b: {  	s18 =	sand.u32 $0x3FFFFF80, s31;
	v2 =	vld.idx.msk [tilespmem:v0+s19+$0x40 ss:$0x1], $0xffff  }
0x2c: {  	s18 =	sadd.s32 s18, s15;
	v3 =	vld.idx.msk [tilespmem:v0+s19+$0x50 ss:$0x1], $0xffff  }
0x2d: {  	v4 =	vld.idx.msk [tilespmem:v0+s19+$0x60 ss:$0x1], $0xffff;
	[tilespmem:v0+s18+$0x70 ss:$0x1] =	vst.idx.msk $0xffff, v5  }
0x2e: {  	v5 =	vld.idx.msk [tilespmem:v0+s19+$0x0 ss:$0x1], $0xffff;
	[tilespmem:v0+s18+$0x10 ss:$0x1] =	vst.idx.msk $0xffff, v6;
	s19 =	sadd.s32 $0x80, s19  }
0x2f: {  	p0 =	por p1, p1;
	s20 =	simm.s32 $0x6;
	[tilespmem:v0+s18+$0x20 ss:$0x1] =	vst.idx.msk $0xffff, v7;
	v6 =	vld.idx.msk [tilespmem:v0+s19+$0x70 ss:$0x1], $0xffff  }
.LBB1_5:
0x30: {  	p1 =	sne.s32 s20, $0x1;
	v7 =	vld.idx.msk [tilespmem:v0+s19+$0x10 ss:$0x1], $0xffff;
	[tilespmem:v0+s18+$0x30 ss:$0x1] =	vst.idx.msk $0xffff, v1  }
0x31: {  	v8 =	vld.idx.msk [tilespmem:v0+s19+$0x20 ss:$0x1], $0xffff;
	[tilespmem:v0+s18+$0x40 ss:$0x1] =	vst.idx.msk $0xffff, v2  }
0x32: {  	v1 =	vld.idx.msk [tilespmem:v0+s19+$0x30 ss:$0x1], $0xffff;
	[tilespmem:v0+s18+$0x50 ss:$0x1] =	vst.idx.msk $0xffff, v3  }
.Ltmp3:
0x33: {  	v2 =	vld.idx.msk [tilespmem:v0+s19+$0x40 ss:$0x1], $0xffff;
	[tilespmem:v0+s18+$0x60 ss:$0x1] =	vst.idx.msk $0xffff, v4;
	(pc) =	sbr.rel @p1 .LBB1_5-.Ltmp3, $4  }
0x34: {  	v3 =	vld.idx.msk [tilespmem:v0+s19+$0x50 ss:$0x1], $0xffff;
	[tilespmem:v0+s18+$0x0 ss:$0x1] =	vst.idx.msk $0xffff, v5;
	s18 =	sadd.s32 $0x100, s18  }
0x35: {  	v4 =	vld.idx.msk [tilespmem:v0+s19+$0x60 ss:$0x1], $0xffff;
	[tilespmem:v0+s18+$0x70 ss:$0x1] =	vst.idx.msk $0xffff, v6  }
0x36: {  	v5 =	vld.idx.msk [tilespmem:v0+s19+$0x0 ss:$0x1], $0xffff;
	[tilespmem:v0+s18+$0x10 ss:$0x1] =	vst.idx.msk $0xffff, v7;
	s19 =	sadd.s32 $0x80, s19  }
0x37: {  	s20 =	sadd.s32 $0xFFFFFFFF, s20;
	v6 =	vld.idx.msk [tilespmem:v0+s19+$0x70 ss:$0x1], $0xffff;
	[tilespmem:v0+s18+$0x20 ss:$0x1] =	vst.idx.msk $0xffff, v8  }
0x38: {  	_ =	sdelay $0x3  }
0x39: {  	[tilespmem:v0+s18+$0x30 ss:$0x1] =	vst.idx.msk $0xffff, v1  }
0x3a: {  	v1 =	vld.idx.msk [tilespmem:v0+s19+$0x10 ss:$0x1], $0xffff;
	[tilespmem:v0+s18+$0x40 ss:$0x1] =	vst.idx.msk $0xffff, v2  }
0x3b: {  	v2 =	vld.idx.msk [tilespmem:v0+s19+$0x20 ss:$0x1], $0xffff;
	[tilespmem:v0+s18+$0x50 ss:$0x1] =	vst.idx.msk $0xffff, v3  }
0x3c: {  	v61 =	vld.idx.msk [tilespmem:v0+s19+$0x40 ss:$0x1], $0xffff;
	[tilespmem:v0+s18+$0x60 ss:$0x1] =	vst.idx.msk $0xffff, v4  }
0x3d: {  	s31 =	sadd.s32 $0x100, s18;
	v62 =	vld.idx.msk [tilespmem:v0+s19+$0x50 ss:$0x1], $0xffff;
	[tilespmem:v0+s18+$0x0 ss:$0x1] =	vst.idx.msk $0xffff, v5  }
0x3e: {  	v63 =	vld.idx.msk [tilespmem:v0+s19+$0x60 ss:$0x1], $0xffff;
	[tilespmem:v0+s31+$0x70 ss:$0x1] =	vst.idx.msk $0xffff, v6  }
0x3f: {  	v3 =	vld.idx.msk [tilespmem:v0+s19+$0x30 ss:$0x1], $0xffff;
	[tilespmem:v0+s31+$0x10 ss:$0x1] =	vst.idx.msk $0xffff, v1  }
0x40: {  	v1 =	vld.idx.msk [tilespmem:v0+s19+$0x0 ss:$0x1], $0xffff;
	[tilespmem:v0+s31+$0x20 ss:$0x1] =	vst.idx.msk $0xffff, v2  }
.Ltmp4:
0x41: {  	[tilespmem:v0+s31+$0x40 ss:$0x1] =	vst.idx.msk $0xffff, v61;
	(pc) =	sbr.rel @p0 .LBB1_4-.Ltmp4, $4  }
0x42: {  	[tilespmem:v0+s31+$0x50 ss:$0x1] =	vst.idx.msk $0xffff, v62  }
0x43: {  	[tilespmem:v0+s31+$0x60 ss:$0x1] =	vst.idx.msk $0xffff, v63  }
0x44: {  	[tilespmem:v0+s31+$0x30 ss:$0x1] =	vst.idx.msk $0xffff, v3  }
0x45: {  	p1 =	por $0x0, $0x0;
	s18 =	simm.s32 $0x1;
	[tilespmem:v0+s31+$0x0 ss:$0x1] =	vst.idx.msk $0xffff, v1  }
0x46: {  	s17 =	sadd.s32 $0x1, s17  }
0x47: {  	p0 =	sne.s32 s17, $0x8  }
.Ltmp5:
0x48: {  	_ = 	snop;
	(pc) =	sbr.rel @p0 .LBB1_3-.Ltmp5, $2  }
0x49: {  	_ =	sdelay $0x2  }
0x4a: {  	s16 =	sadd.s32 $0x2000, s16  }
.Ltmp6:
0x4b: {  	(pc) =	sbr.rel .LBB1_9-.Ltmp6, $4  }
0x4c: {  	_ = 	snop  }
0x4d: {  	s12 =	sshll.u32 s12, $0x8  }
0x4e: {  	s12 =	sadd.s32 s4, s12  }
0x4f: {  	[hbm4b:s12+s8] =	stream.linear.scatter [tilespmem:s13], [sflag:$0x2], $0x4000, $0x38;
	[tilespmem:$0x10000] =	vst v63  }
.LBB1_10:
0x50: {  	_ =	sfence.sel $0x180000  }
0x51: {  	s2 =	simm.s32 $0x1;
	[bflag:$0x0] =	sbarrier.arrive $0xFFFF  }
0x52: {  	s31 =	simm.s32 $0x2;
	[sflag:s2] =	ssyncpa.u1 $0x1  }
0x53: {  	[sflag:s31] =	ssyncpa.u1 $0x1  }
0x54: {  	p0 =	sne.s32 s0, $0x0;
	_ =	strace $0x90000047  }
0x55: {  	s0 =	sadd.s32 @!p0 $0x100000, s1;
	[bflag:$0x2] =	sbarrier.arrive $0xFFFF  }
0x56: {  	[sflag:s0] =	ssyncadd.tile.s32 @!p0 $0x1;
	_ =	shalt  }
.Lfunc_end1:
_tile_overlayer_lowered:
.L_overlay_start_2:
0x57: {  	(tag) =	ssettag $0x2  }
0x58: {  	s0 =	rddreg [dreg:$0x0];
	s2 =	stileid.u32  }
0x59: {  	s1 =	rddreg [dreg:$0x1];
	p0 =	sne.s32 s2, $0x0  }
0x5a: {  	s3 =	rddreg [dreg:$0x2];
	[bflag:$0x3] =	sbarrier.arrive $0xFFFF;
	s2 =	simm.s32 @!p0 $0x1C01  }
0x5b: {  	[timem:s3], [sflag:s2] =	dma.local @!p0 [hbm:s0], s1  }
0x5c: {  	s0 =	simm.s32 @!p0 $0x1  }
0x5d: {  	_ =	swait.ge @!p0 [sflag:s0], s1  }
0x5e: {  	s1 =	ssub.s32 @!p0 $0x0, s1;
	[sflag:s0] =	ssyncset.done @!p0 $0x0  }
0x5f: {  	[sflag:s0] =	ssyncadd.s32 @!p0 s1  }
0x60: {  	[bflag:$0x3] =	sbarrier.arrive $0xFFFF  }
0x61: {  	_ =	shalt  }

</sc_bundles>
